<compile_context>
chip_gen: v7x
topology: tpu7x:2x2x1
jax: 0.10.2.dev20260603
libtpu: 0.0.44.dev20260713+nightly
codegen_flags: <defaults>
</compile_context>

<pallas_src>
import jax
import jax.numpy as jnp
from jax.experimental import pallas as pl
from jax.experimental.pallas import tpu as pltpu

_N = 16384
_D = 256
_K = 256
_B = 1024


def _lrelu(v):
    return jnp.maximum(v, 0.01 * v)


def _body(x_ref, eps_ref, w0_ref, b0_ref, W1_ref, b1_ref, Wml_ref, bml_ref,
          embT_ref, embA_ref, e2_ref,
          Wd_ref, bd_ref, Wd0_ref, bd0_ref, Wd1_ref, bd1_ref, Wd2_ref, bd2_ref,
          ze_ref, zq_ref, de_ref, dq_ref, cs_ref, ss_ref, tbl_ref):
    def dec(z):
        y = _lrelu(jnp.dot(z, Wd_ref[...]) + bd_ref[...])
        y = _lrelu(jnp.dot(y, Wd0_ref[...]) + bd0_ref[...])
        y = _lrelu(jnp.dot(y, Wd1_ref[...]) + bd1_ref[...])
        y = _lrelu(jnp.dot(y, Wd2_ref[...]) + bd2_ref[...])
        return y

    @pl.when(pl.program_id(0) == 0)
    def _mk_table():
        tbl_ref[...] = dec(embA_ref[:, :_D])
    xb = x_ref[...]
    h = _lrelu(xb * w0_ref[...] + b0_ref[...])
    h = _lrelu(jnp.dot(h, W1_ref[...]) + b1_ref[...])
    ml = jnp.dot(h, Wml_ref[...]) + bml_ref[...]
    mu, lv = ml[:, :_D], ml[:, _D:]
    ze = mu + eps_ref[...] * jnp.exp(0.5 * lv)
    ze_ref[...] = ze

    dots = jnp.dot(ze, embT_ref[...])
    z2 = jnp.sum(ze * ze, axis=1, keepdims=True)
    d = (z2 - 2.0 * dots) + e2_ref[...]
    dmin = jnp.min(d, axis=1, keepdims=True)
    j = jax.lax.broadcasted_iota(jnp.int32, d.shape, 1)
    k = jnp.min(jnp.where(d == dmin, j, _K), axis=1, keepdims=True)

    cs_part = jnp.sum(dmin)

    oh = (j == k).astype(jnp.float32)
    ga = jnp.dot(oh, embA_ref[...])
    zq = ga[:, :_D]
    m = ga[:, _D:]
    ss_part = jnp.sum(m * d)
    zq_ref[...] = zq

    de_ref[...] = dec(ze)[:, 0:1]
    dq_ref[...] = jnp.dot(oh, tbl_ref[...])[:, 0:1]

    @pl.when(pl.program_id(0) == 0)
    def _init():
        cs_ref[...] = jnp.zeros_like(cs_ref)
        ss_ref[...] = jnp.zeros_like(ss_ref)

    cs_ref[...] += cs_part
    ss_ref[...] += ss_part


def kernel(x, W_e0, b_e0, W_e1, b_e1, W_mu, b_mu, W_lv, b_lv,
           W_d, b_d, W_d0, b_d0, W_d1, b_d1, W_d2, b_d2, emb, eps):
    f32 = jnp.float32
    w0p = jnp.zeros((1, 128), f32).at[0, :10].set(W_e0[:, 0])
    b0p = jnp.zeros((1, 128), f32).at[0, :10].set(b_e0)
    W1p = jnp.zeros((128, 128), f32).at[:10, :50].set(W_e1.T)
    b1p = jnp.zeros((1, 128), f32).at[0, :50].set(b_e1)
    Wmlp = (jnp.zeros((128, 2 * _D), f32)
            .at[:50, :_D].set(W_mu.T).at[:50, _D:].set(W_lv.T))
    bmlp = jnp.concatenate([b_mu, b_lv]).reshape(1, 2 * _D)
    embT = emb.T
    e2 = jnp.sum(emb * emb, axis=1).reshape(1, _K)
    idx = jnp.arange(_K, dtype=jnp.int32)
    i1, i2 = idx // 16, idx % 16
    nb = [jnp.clip(i1 - 1, 0, 15) * 16 + i2, jnp.clip(i1 + 1, 0, 15) * 16 + i2,
          i1 * 16 + jnp.clip(i2 - 1, 0, 15), i1 * 16 + jnp.clip(i2 + 1, 0, 15)]
    A = jnp.zeros((_K, _K), f32)
    for nbi in nb:
        A = A.at[idx, nbi].add(1.0)
    embA = jnp.concatenate([emb, A], axis=1)
    Wdp = jnp.zeros((_D, 128), f32).at[:, :100].set(W_d.T)
    bdp = jnp.zeros((1, 128), f32).at[0, :100].set(b_d)
    Wd0p = jnp.zeros((128, 128), f32).at[:100, :60].set(W_d0.T)
    bd0p = jnp.zeros((1, 128), f32).at[0, :60].set(b_d0)
    Wd1p = jnp.zeros((128, 128), f32).at[:60, :30].set(W_d1.T)
    bd1p = jnp.zeros((1, 128), f32).at[0, :30].set(b_d1)
    Wd2p = jnp.zeros((128, 128), f32).at[:30, :1].set(W_d2.T)
    bd2p = jnp.zeros((1, 128), f32).at[0, 0].set(b_d2[0])

    full = lambda shape: pl.BlockSpec(shape, lambda i: (0, 0))
    rows = lambda cols: pl.BlockSpec((_B, cols), lambda i: (i, 0))

    ze, zq, de, dq, cs, ss = pl.pallas_call(
        _body,
        grid=(_N // _B,),
        in_specs=[
            rows(1), rows(_D),
            full((1, 128)), full((1, 128)), full((128, 128)), full((1, 128)),
            full((128, 2 * _D)), full((1, 2 * _D)),
            full((_D, _K)), full((_K, 2 * _K)), full((1, _K)),
            full((_D, 128)), full((1, 128)), full((128, 128)), full((1, 128)),
            full((128, 128)), full((1, 128)), full((128, 128)), full((1, 128)),
        ],
        out_specs=[
            rows(_D), rows(_D), rows(1), rows(1),
            pl.BlockSpec((1, 1), lambda i: (0, 0)),
            pl.BlockSpec((1, 1), lambda i: (0, 0)),
        ],
        out_shape=[
            jax.ShapeDtypeStruct((_N, _D), f32),
            jax.ShapeDtypeStruct((_N, _D), f32),
            jax.ShapeDtypeStruct((_N, 1), f32),
            jax.ShapeDtypeStruct((_N, 1), f32),
            jax.ShapeDtypeStruct((1, 1), f32),
            jax.ShapeDtypeStruct((1, 1), f32),
        ],
        scratch_shapes=[pltpu.VMEM((_K, 128), f32)],
    )(x, eps, w0p, b0p, W1p, b1p, Wmlp, bmlp, embT, embA, e2,
      Wdp, bdp, Wd0p, bd0p, Wd1p, bd1p, Wd2p, bd2p)

    commit_loss = 2.0 * cs[0, 0] / (_N * _D)
    som_loss = ss[0, 0] / (_N * 4 * _D)
    return ze, zq, de, dq, commit_loss, som_loss

# --- scband reference (transcript-rebuilt; emitter-appended) ---
"""Pipeline reference for scband-vae-69561290326201 (READ-ONLY COPY).

The authoritative reference and input builder live on the scoring server;
editing this copy changes nothing except your own understanding.
"""

import jax, jax.numpy as jnp
import numpy as np

N = 16384
LATENT = 256
SOM = (16, 16)
K = SOM[0] * SOM[1]


def _lin(k, fan_in, fan_out):
    bound = 1.0 / np.sqrt(fan_in)
    kw, kb = jax.random.split(k)
    W = jax.random.uniform(kw, (fan_out, fan_in), minval=-bound, maxval=bound, dtype=jnp.float32)
    b = jax.random.uniform(kb, (fan_out,), minval=-bound, maxval=bound, dtype=jnp.float32)
    return W, b


def setup_inputs(seed: int = 0) -> dict:
    key = jax.random.key(seed)
    ks = jax.random.split(key, 12)
    x = jax.random.normal(ks[0], (N, 1), dtype=jnp.float32)
    W_e0, b_e0 = _lin(ks[1], 1, 10)
    W_e1, b_e1 = _lin(ks[2], 10, 50)
    W_mu, b_mu = _lin(ks[3], 50, LATENT)
    W_lv, b_lv = _lin(ks[4], 50, LATENT)
    W_d, b_d = _lin(ks[5], LATENT, 100)
    W_d0, b_d0 = _lin(ks[6], 100, 60)
    W_d1, b_d1 = _lin(ks[7], 60, 30)
    W_d2, b_d2 = _lin(ks[8], 30, 1)
    emb = jax.random.normal(ks[9], (K, LATENT), dtype=jnp.float32) * 0.05
    eps = jax.random.normal(ks[10], (N, LATENT), dtype=jnp.float32)
    return dict(x=x, W_e0=W_e0, b_e0=b_e0, W_e1=W_e1, b_e1=b_e1,
                W_mu=W_mu, b_mu=b_mu, W_lv=W_lv, b_lv=b_lv,
                W_d=W_d, b_d=b_d, W_d0=W_d0, b_d0=b_d0,
                W_d1=W_d1, b_d1=b_d1, W_d2=W_d2, b_d2=b_d2,
                emb=emb, eps=eps)


def _lrelu(x):
    return jax.nn.leaky_relu(x, 0.01)


def reference(x, W_e0, b_e0, W_e1, b_e1, W_mu, b_mu, W_lv, b_lv,
              W_d, b_d, W_d0, b_d0, W_d1, b_d1, W_d2, b_d2, emb, eps):
    # encode
    h = _lrelu(x @ W_e0.T + b_e0)
    h = _lrelu(h @ W_e1.T + b_e1)
    mu = h @ W_mu.T + b_mu
    logvar = h @ W_lv.T + b_lv
    # reparameterize (eps is a fixed noise sample for determinism)
    std = jnp.exp(0.5 * logvar)
    z_e = mu + eps * std
    # SOM embedding layer: nearest-code quantization on a 16x16 grid
    d = (jnp.sum(z_e * z_e, axis=1, keepdims=True)
         - 2.0 * (z_e @ emb.T)
         + jnp.sum(emb * emb, axis=1)[None, :])
    k = jnp.argmin(d, axis=1)
    z_q = jnp.take(emb, k, axis=0)
    commit_loss = (jnp.mean((z_e - jax.lax.stop_gradient(z_q)) ** 2)
                   + jnp.mean((jax.lax.stop_gradient(z_e) - z_q) ** 2))
    # SOM neighbor loss: pull grid-neighbor codes toward z_e
    k1 = k // SOM[1]
    k2 = k % SOM[1]
    k1u = jnp.clip(k1 - 1, 0, SOM[0] - 1)
    k1d = jnp.clip(k1 + 1, 0, SOM[0] - 1)
    k2l = jnp.clip(k2 - 1, 0, SOM[1] - 1)
    k2r = jnp.clip(k2 + 1, 0, SOM[1] - 1)
    n_idx = jnp.stack([k1u * SOM[1] + k2, k1d * SOM[1] + k2,
                       k1 * SOM[1] + k2l, k1 * SOM[1] + k2r], axis=1)
    n_emb = jnp.take(emb, n_idx, axis=0)  # [N, 4, D]
    som_loss = jnp.mean((jax.lax.stop_gradient(z_e)[:, None, :] - n_emb) ** 2)

    def dec(z):
        y = _lrelu(z @ W_d.T + b_d)
        y = _lrelu(y @ W_d0.T + b_d0)
        y = _lrelu(y @ W_d1.T + b_d1)
        y = _lrelu(y @ W_d2.T + b_d2)
        return y

    decoder_e = dec(z_e)
    decoder_q = dec(z_q)
    return (z_e, z_q, decoder_e, decoder_q, commit_loss, som_loss)

if __name__ == "__main__":
    import jax
    _d = setup_inputs()
    print(jax.jit(kernel)(*tuple(_d.values())))

</pallas_src>

<mosaic_0001>
module attributes {stable_mosaic.version = 14 : i64} {
  func.func @_body(%arg0: i32, %arg1: memref<1024x1xf32, #tpu.memory_space<vmem>>, %arg2: memref<1024x256xf32, #tpu.memory_space<vmem>>, %arg3: memref<1x128xf32, #tpu.memory_space<vmem>>, %arg4: memref<1x128xf32, #tpu.memory_space<vmem>>, %arg5: memref<128x128xf32, #tpu.memory_space<vmem>>, %arg6: memref<1x128xf32, #tpu.memory_space<vmem>>, %arg7: memref<128x512xf32, #tpu.memory_space<vmem>>, %arg8: memref<1x512xf32, #tpu.memory_space<vmem>>, %arg9: memref<256x256xf32, #tpu.memory_space<vmem>>, %arg10: memref<256x512xf32, #tpu.memory_space<vmem>>, %arg11: memref<1x256xf32, #tpu.memory_space<vmem>>, %arg12: memref<256x128xf32, #tpu.memory_space<vmem>>, %arg13: memref<1x128xf32, #tpu.memory_space<vmem>>, %arg14: memref<128x128xf32, #tpu.memory_space<vmem>>, %arg15: memref<1x128xf32, #tpu.memory_space<vmem>>, %arg16: memref<128x128xf32, #tpu.memory_space<vmem>>, %arg17: memref<1x128xf32, #tpu.memory_space<vmem>>, %arg18: memref<128x128xf32, #tpu.memory_space<vmem>>, %arg19: memref<1x128xf32, #tpu.memory_space<vmem>>, %arg20: memref<1024x256xf32, #tpu.memory_space<vmem>>, %arg21: memref<1024x256xf32, #tpu.memory_space<vmem>>, %arg22: memref<1024x1xf32, #tpu.memory_space<vmem>>, %arg23: memref<1024x1xf32, #tpu.memory_space<vmem>>, %arg24: memref<1x1xf32, #tpu.memory_space<vmem>>, %arg25: memref<1x1xf32, #tpu.memory_space<vmem>>, %arg26: memref<256x128xf32, #tpu.memory_space<vmem>>) attributes {dimension_semantics = [#tpu.dimension_semantics<arbitrary>], iteration_bounds = array<i64: 16>, scalar_prefetch = 0 : i64, scratch_operands = 1 : i64, tpu.core_type = #tpu.core_type<tc>, window_params = [{transform_indices = @transform_0, window_bounds = array<i64: 1024, 1>}, {transform_indices = @transform_1, window_bounds = array<i64: 1024, 256>}, {pipeline_mode = #tpu.pipeline_mode<synchronous>, transform_indices = @transform_2, window_bounds = array<i64: 1, 128>}, {pipeline_mode = #tpu.pipeline_mode<synchronous>, transform_indices = @transform_3, window_bounds = array<i64: 1, 128>}, {pipeline_mode = #tpu.pipeline_mode<synchronous>, transform_indices = @transform_4, window_bounds = array<i64: 128, 128>}, {pipeline_mode = #tpu.pipeline_mode<synchronous>, transform_indices = @transform_5, window_bounds = array<i64: 1, 128>}, {pipeline_mode = #tpu.pipeline_mode<synchronous>, transform_indices = @transform_6, window_bounds = array<i64: 128, 512>}, {pipeline_mode = #tpu.pipeline_mode<synchronous>, transform_indices = @transform_7, window_bounds = array<i64: 1, 512>}, {pipeline_mode = #tpu.pipeline_mode<synchronous>, transform_indices = @transform_8, window_bounds = array<i64: 256, 256>}, {pipeline_mode = #tpu.pipeline_mode<synchronous>, transform_indices = @transform_9, window_bounds = array<i64: 256, 512>}, {pipeline_mode = #tpu.pipeline_mode<synchronous>, transform_indices = @transform_10, window_bounds = array<i64: 1, 256>}, {pipeline_mode = #tpu.pipeline_mode<synchronous>, transform_indices = @transform_11, window_bounds = array<i64: 256, 128>}, {pipeline_mode = #tpu.pipeline_mode<synchronous>, transform_indices = @transform_12, window_bounds = array<i64: 1, 128>}, {pipeline_mode = #tpu.pipeline_mode<synchronous>, transform_indices = @transform_13, window_bounds = array<i64: 128, 128>}, {pipeline_mode = #tpu.pipeline_mode<synchronous>, transform_indices = @transform_14, window_bounds = array<i64: 1, 128>}, {pipeline_mode = #tpu.pipeline_mode<synchronous>, transform_indices = @transform_15, window_bounds = array<i64: 128, 128>}, {pipeline_mode = #tpu.pipeline_mode<synchronous>, transform_indices = @transform_16, window_bounds = array<i64: 1, 128>}, {pipeline_mode = #tpu.pipeline_mode<synchronous>, transform_indices = @transform_17, window_bounds = array<i64: 128, 128>}, {pipeline_mode = #tpu.pipeline_mode<synchronous>, transform_indices = @transform_18, window_bounds = array<i64: 1, 128>}, {transform_indices = @transform_19, window_bounds = array<i64: 1024, 256>}, {transform_indices = @transform_20, window_bounds = array<i64: 1024, 256>}, {transform_indices = @transform_21, window_bounds = array<i64: 1024, 1>}, {transform_indices = @transform_22, window_bounds = array<i64: 1024, 1>}, {pipeline_mode = #tpu.pipeline_mode<synchronous>, transform_indices = @transform_23, window_bounds = array<i64: 1, 1>}, {pipeline_mode = #tpu.pipeline_mode<synchronous>, transform_indices = @transform_24, window_bounds = array<i64: 1, 1>}]} {
    %eq3A = arith.constant 0 : i32
    %eq3A_0 = arith.cmpi eq, %arg0, %eq3A : i32
    %convert_element_type3A = arith.extui %eq3A_0 : i1 to i32
    %cond3A = arith.constant 0 : i32
    %cond3A_1 = arith.cmpi ne, %convert_element_type3A, %cond3A : i32
    scf.if %cond3A_1 {
      %get3A_207 = arith.constant 0 : index
      %get3A_208 = arith.constant 0 : index
      %get3A_209 = vector.load %arg10[%get3A_207, %get3A_208] : memref<256x512xf32, #tpu.memory_space<vmem>>, vector<256x256xf32>
      %get3A_210 = arith.constant 0 : index
      %get3A_211 = arith.constant 0 : index
      %get3A_212 = vector.load %arg12[%get3A_210, %get3A_211] : memref<256x128xf32, #tpu.memory_space<vmem>>, vector<256x128xf32>
      %dot_general3A_213 = arith.constant dense<0.000000e+00> : vector<256x128xf32>
      %dot_general3A_214 = tpu.matmul %get3A_209, %get3A_212, %dot_general3A_213 {dimension_numbers = #tpu.dot_dimension_numbers<[1], [0], [0], [1], [0, 0, 1, 1], [], []>, transpose_lhs_hint = false} : vector<256x256xf32>, vector<256x128xf32>, vector<256x128xf32> -> vector<256x128xf32>
      %get3A_215 = arith.constant 0 : index
      %get3A_216 = arith.constant 0 : index
      %get3A_217 = vector.load %arg13[%get3A_215, %get3A_216] : memref<1x128xf32, #tpu.memory_space<vmem>>, vector<1x128xf32>
      %add3A_218 = vector.broadcast %get3A_217 : vector<1x128xf32> to vector<256x128xf32>
      %add3A_219 = arith.addf %dot_general3A_214, %add3A_218 : vector<256x128xf32>
      %jit3A_220 = arith.constant 0.00999999977 : f32
      %ge3A_221 = arith.constant 0.000000e+00 : f32
      %ge3A_222 = vector.broadcast %ge3A_221 : f32 to vector<256x128xf32>
      %ge3A_223 = arith.cmpf oge, %add3A_219, %ge3A_222 : vector<256x128xf32>
      %mul3A_224 = vector.broadcast %jit3A_220 : f32 to vector<256x128xf32>
      %mul3A_225 = arith.mulf %mul3A_224, %add3A_219 : vector<256x128xf32>
      %select_n3A_226 = arith.select %ge3A_223, %add3A_219, %mul3A_225 : vector<256x128xi1>, vector<256x128xf32>
      %get3A_227 = arith.constant 0 : index
      %get3A_228 = arith.constant 0 : index
      %get3A_229 = vector.load %arg14[%get3A_227, %get3A_228] : memref<128x128xf32, #tpu.memory_space<vmem>>, vector<128x128xf32>
      %dot_general3A_230 = arith.constant dense<0.000000e+00> : vector<256x128xf32>
      %dot_general3A_231 = tpu.matmul %select_n3A_226, %get3A_229, %dot_general3A_230 {dimension_numbers = #tpu.dot_dimension_numbers<[1], [0], [0], [1], [0, 0, 1, 1], [], []>, transpose_lhs_hint = false} : vector<256x128xf32>, vector<128x128xf32>, vector<256x128xf32> -> vector<256x128xf32>
      %get3A_232 = arith.constant 0 : index
      %get3A_233 = arith.constant 0 : index
      %get3A_234 = vector.load %arg15[%get3A_232, %get3A_233] : memref<1x128xf32, #tpu.memory_space<vmem>>, vector<1x128xf32>
      %add3A_235 = vector.broadcast %get3A_234 : vector<1x128xf32> to vector<256x128xf32>
      %add3A_236 = arith.addf %dot_general3A_231, %add3A_235 : vector<256x128xf32>
      %jit3A_237 = arith.constant 0.00999999977 : f32
      %ge3A_238 = arith.constant 0.000000e+00 : f32
      %ge3A_239 = vector.broadcast %ge3A_238 : f32 to vector<256x128xf32>
      %ge3A_240 = arith.cmpf oge, %add3A_236, %ge3A_239 : vector<256x128xf32>
      %mul3A_241 = vector.broadcast %jit3A_237 : f32 to vector<256x128xf32>
      %mul3A_242 = arith.mulf %mul3A_241, %add3A_236 : vector<256x128xf32>
      %select_n3A_243 = arith.select %ge3A_240, %add3A_236, %mul3A_242 : vector<256x128xi1>, vector<256x128xf32>
      %get3A_244 = arith.constant 0 : index
      %get3A_245 = arith.constant 0 : index
      %get3A_246 = vector.load %arg16[%get3A_244, %get3A_245] : memref<128x128xf32, #tpu.memory_space<vmem>>, vector<128x128xf32>
      %dot_general3A_247 = arith.constant dense<0.000000e+00> : vector<256x128xf32>
      %dot_general3A_248 = tpu.matmul %select_n3A_243, %get3A_246, %dot_general3A_247 {dimension_numbers = #tpu.dot_dimension_numbers<[1], [0], [0], [1], [0, 0, 1, 1], [], []>, transpose_lhs_hint = false} : vector<256x128xf32>, vector<128x128xf32>, vector<256x128xf32> -> vector<256x128xf32>
      %get3A_249 = arith.constant 0 : index
      %get3A_250 = arith.constant 0 : index
      %get3A_251 = vector.load %arg17[%get3A_249, %get3A_250] : memref<1x128xf32, #tpu.memory_space<vmem>>, vector<1x128xf32>
      %add3A_252 = vector.broadcast %get3A_251 : vector<1x128xf32> to vector<256x128xf32>
      %add3A_253 = arith.addf %dot_general3A_248, %add3A_252 : vector<256x128xf32>
      %jit3A_254 = arith.constant 0.00999999977 : f32
      %ge3A_255 = arith.constant 0.000000e+00 : f32
      %ge3A_256 = vector.broadcast %ge3A_255 : f32 to vector<256x128xf32>
      %ge3A_257 = arith.cmpf oge, %add3A_253, %ge3A_256 : vector<256x128xf32>
      %mul3A_258 = vector.broadcast %jit3A_254 : f32 to vector<256x128xf32>
      %mul3A_259 = arith.mulf %mul3A_258, %add3A_253 : vector<256x128xf32>
      %select_n3A_260 = arith.select %ge3A_257, %add3A_253, %mul3A_259 : vector<256x128xi1>, vector<256x128xf32>
      %get3A_261 = arith.constant 0 : index
      %get3A_262 = arith.constant 0 : index
      %get3A_263 = vector.load %arg18[%get3A_261, %get3A_262] : memref<128x128xf32, #tpu.memory_space<vmem>>, vector<128x128xf32>
      %dot_general3A_264 = arith.constant dense<0.000000e+00> : vector<256x128xf32>
      %dot_general3A_265 = tpu.matmul %select_n3A_260, %get3A_263, %dot_general3A_264 {dimension_numbers = #tpu.dot_dimension_numbers<[1], [0], [0], [1], [0, 0, 1, 1], [], []>, transpose_lhs_hint = false} : vector<256x128xf32>, vector<128x128xf32>, vector<256x128xf32> -> vector<256x128xf32>
      %get3A_266 = arith.constant 0 : index
      %get3A_267 = arith.constant 0 : index
      %get3A_268 = vector.load %arg19[%get3A_266, %get3A_267] : memref<1x128xf32, #tpu.memory_space<vmem>>, vector<1x128xf32>
      %add3A_269 = vector.broadcast %get3A_268 : vector<1x128xf32> to vector<256x128xf32>
      %add3A_270 = arith.addf %dot_general3A_265, %add3A_269 : vector<256x128xf32>
      %jit3A_271 = arith.constant 0.00999999977 : f32
      %ge3A_272 = arith.constant 0.000000e+00 : f32
      %ge3A_273 = vector.broadcast %ge3A_272 : f32 to vector<256x128xf32>
      %ge3A_274 = arith.cmpf oge, %add3A_270, %ge3A_273 : vector<256x128xf32>
      %mul3A_275 = vector.broadcast %jit3A_271 : f32 to vector<256x128xf32>
      %mul3A_276 = arith.mulf %mul3A_275, %add3A_270 : vector<256x128xf32>
      %select_n3A_277 = arith.select %ge3A_274, %add3A_270, %mul3A_276 : vector<256x128xi1>, vector<256x128xf32>
      %swap3A_278 = arith.constant 0 : index
      %swap3A_279 = arith.constant 0 : index
      %swap3A_280 = vector.load %arg26[%swap3A_278, %swap3A_279] : memref<256x128xf32, #tpu.memory_space<vmem>>, vector<256x128xf32>
      tpu.vector_store %arg26[%swap3A_278, %swap3A_279], %select_n3A_277 {strides = array<i32>} : memref<256x128xf32, #tpu.memory_space<vmem>>, vector<256x128xf32>,
    } else {
    }
    %get3A = arith.constant 0 : index
    %get3A_2 = arith.constant 0 : index
    %get3A_3 = vector.load %arg1[%get3A, %get3A_2] : memref<1024x1xf32, #tpu.memory_space<vmem>>, vector<1024x1xf32>
    %get3A_4 = arith.constant 0 : index
    %get3A_5 = arith.constant 0 : index
    %get3A_6 = vector.load %arg3[%get3A_4, %get3A_5] : memref<1x128xf32, #tpu.memory_space<vmem>>, vector<1x128xf32>
    %mul3A = vector.broadcast %get3A_3 : vector<1024x1xf32> to vector<1024x128xf32>
    %mul3A_7 = vector.broadcast %get3A_6 : vector<1x128xf32> to vector<1024x128xf32>
    %mul3A_8 = arith.mulf %mul3A, %mul3A_7 : vector<1024x128xf32>
    %get3A_9 = arith.constant 0 : index
    %get3A_10 = arith.constant 0 : index
    %get3A_11 = vector.load %arg4[%get3A_9, %get3A_10] : memref<1x128xf32, #tpu.memory_space<vmem>>, vector<1x128xf32>
    %add3A = vector.broadcast %get3A_11 : vector<1x128xf32> to vector<1024x128xf32>
    %add3A_12 = arith.addf %mul3A_8, %add3A : vector<1024x128xf32>
    %jit3A = arith.constant 0.00999999977 : f32
    %ge3A = arith.constant 0.000000e+00 : f32
    %ge3A_13 = vector.broadcast %ge3A : f32 to vector<1024x128xf32>
    %ge3A_14 = arith.cmpf oge, %add3A_12, %ge3A_13 : vector<1024x128xf32>
    %mul3A_15 = vector.broadcast %jit3A : f32 to vector<1024x128xf32>
    %mul3A_16 = arith.mulf %mul3A_15, %add3A_12 : vector<1024x128xf32>
    %select_n3A = arith.select %ge3A_14, %add3A_12, %mul3A_16 : vector<1024x128xi1>, vector<1024x128xf32>
    %get3A_17 = arith.constant 0 : index
    %get3A_18 = arith.constant 0 : index
    %get3A_19 = vector.load %arg5[%get3A_17, %get3A_18] : memref<128x128xf32, #tpu.memory_space<vmem>>, vector<128x128xf32>
    %dot_general3A = arith.constant dense<0.000000e+00> : vector<1024x128xf32>
    %dot_general3A_20 = tpu.matmul %select_n3A, %get3A_19, %dot_general3A {dimension_numbers = #tpu.dot_dimension_numbers<[1], [0], [0], [1], [0, 0, 1, 1], [], []>, transpose_lhs_hint = false} : vector<1024x128xf32>, vector<128x128xf32>, vector<1024x128xf32> -> vector<1024x128xf32>
    %get3A_21 = arith.constant 0 : index
    %get3A_22 = arith.constant 0 : index
    %get3A_23 = vector.load %arg6[%get3A_21, %get3A_22] : memref<1x128xf32, #tpu.memory_space<vmem>>, vector<1x128xf32>
    %add3A_24 = vector.broadcast %get3A_23 : vector<1x128xf32> to vector<1024x128xf32>
    %add3A_25 = arith.addf %dot_general3A_20, %add3A_24 : vector<1024x128xf32>
    %jit3A_26 = arith.constant 0.00999999977 : f32
    %ge3A_27 = arith.constant 0.000000e+00 : f32
    %ge3A_28 = vector.broadcast %ge3A_27 : f32 to vector<1024x128xf32>
    %ge3A_29 = arith.cmpf oge, %add3A_25, %ge3A_28 : vector<1024x128xf32>
    %mul3A_30 = vector.broadcast %jit3A_26 : f32 to vector<1024x128xf32>
    %mul3A_31 = arith.mulf %mul3A_30, %add3A_25 : vector<1024x128xf32>
    %select_n3A_32 = arith.select %ge3A_29, %add3A_25, %mul3A_31 : vector<1024x128xi1>, vector<1024x128xf32>
    %get3A_33 = arith.constant 0 : index
    %get3A_34 = arith.constant 0 : index
    %get3A_35 = vector.load %arg7[%get3A_33, %get3A_34] : memref<128x512xf32, #tpu.memory_space<vmem>>, vector<128x512xf32>
    %dot_general3A_36 = arith.constant dense<0.000000e+00> : vector<1024x512xf32>
    %dot_general3A_37 = tpu.matmul %select_n3A_32, %get3A_35, %dot_general3A_36 {dimension_numbers = #tpu.dot_dimension_numbers<[1], [0], [0], [1], [0, 0, 1, 1], [], []>, transpose_lhs_hint = false} : vector<1024x128xf32>, vector<128x512xf32>, vector<1024x512xf32> -> vector<1024x512xf32>
    %get3A_38 = arith.constant 0 : index
    %get3A_39 = arith.constant 0 : index
    %get3A_40 = vector.load %arg8[%get3A_38, %get3A_39] : memref<1x512xf32, #tpu.memory_space<vmem>>, vector<1x512xf32>
    %add3A_41 = vector.broadcast %get3A_40 : vector<1x512xf32> to vector<1024x512xf32>
    %add3A_42 = arith.addf %dot_general3A_37, %add3A_41 : vector<1024x512xf32>
    %slice3A = vector.extract_strided_slice %add3A_42 {offsets = [0, 0], sizes = [1024, 256], strides = [1, 1]} : vector<1024x512xf32> to vector<1024x256xf32>
    %slice3A_43 = vector.extract_strided_slice %add3A_42 {offsets = [0, 256], sizes = [1024, 256], strides = [1, 1]} : vector<1024x512xf32> to vector<1024x256xf32>
    %get3A_44 = arith.constant 0 : index
    %get3A_45 = arith.constant 0 : index
    %get3A_46 = vector.load %arg2[%get3A_44, %get3A_45] : memref<1024x256xf32, #tpu.memory_space<vmem>>, vector<1024x256xf32>
    %mul3A_47 = arith.constant 5.000000e-01 : f32
    %mul3A_48 = vector.broadcast %mul3A_47 : f32 to vector<1024x256xf32>
    %mul3A_49 = arith.mulf %mul3A_48, %slice3A_43 : vector<1024x256xf32>
    %exp3A = math.exp %mul3A_49 : vector<1024x256xf32>
    %mul3A_50 = arith.mulf %get3A_46, %exp3A : vector<1024x256xf32>
    %add3A_51 = arith.addf %slice3A, %mul3A_50 : vector<1024x256xf32>
    %swap3A = arith.constant 0 : index
    %swap3A_52 = arith.constant 0 : index
    %swap3A_53 = vector.load %arg20[%swap3A, %swap3A_52] : memref<1024x256xf32, #tpu.memory_space<vmem>>, vector<1024x256xf32>
    tpu.vector_store %arg20[%swap3A, %swap3A_52], %add3A_51 {strides = array<i32>} : memref<1024x256xf32, #tpu.memory_space<vmem>>, vector<1024x256xf32>,
    %get3A_54 = arith.constant 0 : index
    %get3A_55 = arith.constant 0 : index
    %get3A_56 = vector.load %arg9[%get3A_54, %get3A_55] : memref<256x256xf32, #tpu.memory_space<vmem>>, vector<256x256xf32>
    %dot_general3A_57 = arith.constant dense<0.000000e+00> : vector<1024x256xf32>
    %dot_general3A_58 = tpu.matmul %add3A_51, %get3A_56, %dot_general3A_57 {dimension_numbers = #tpu.dot_dimension_numbers<[1], [0], [0], [1], [0, 0, 1, 1], [], []>, transpose_lhs_hint = false} : vector<1024x256xf32>, vector<256x256xf32>, vector<1024x256xf32> -> vector<1024x256xf32>
    %mul3A_59 = arith.mulf %add3A_51, %add3A_51 : vector<1024x256xf32>
    %reduce_sum3A = arith.constant dense<0.000000e+00> : vector<1024xf32>
    %reduce_sum3A_60 = vector.multi_reduction <add>, %mul3A_59, %reduce_sum3A [1] : vector<1024x256xf32> to vector<1024xf32>
    %broadcast_in_dim3A = vector.shape_cast %reduce_sum3A_60 : vector<1024xf32> to vector<1024x1xf32>
    %mul3A_61 = arith.constant 2.000000e+00 : f32
    %mul3A_62 = vector.broadcast %mul3A_61 : f32 to vector<1024x256xf32>
    %mul3A_63 = arith.mulf %mul3A_62, %dot_general3A_58 : vector<1024x256xf32>
    %sub3A = vector.broadcast %broadcast_in_dim3A : vector<1024x1xf32> to vector<1024x256xf32>
    %sub3A_64 = arith.subf %sub3A, %mul3A_63 : vector<1024x256xf32>
    %get3A_65 = arith.constant 0 : index
    %get3A_66 = arith.constant 0 : index
    %get3A_67 = vector.load %arg11[%get3A_65, %get3A_66] : memref<1x256xf32, #tpu.memory_space<vmem>>, vector<1x256xf32>
    %add3A_68 = vector.broadcast %get3A_67 : vector<1x256xf32> to vector<1024x256xf32>
    %add3A_69 = arith.addf %sub3A_64, %add3A_68 : vector<1024x256xf32>
    %reduce_min3A = arith.constant dense<0x7F800000> : vector<1024xf32>
    %reduce_min3A_70 = vector.multi_reduction <minimumf>, %add3A_69, %reduce_min3A [1] : vector<1024x256xf32> to vector<1024xf32>
    %broadcast_in_dim3A_71 = vector.shape_cast %reduce_min3A_70 : vector<1024xf32> to vector<1024x1xf32>
    %iota3A = tpu.iota {dimensions = array<i32: 1>} : vector<1024x256xi32>
    %eq3A_72 = vector.broadcast %broadcast_in_dim3A_71 : vector<1024x1xf32> to vector<1024x256xf32>
    %eq3A_73 = arith.cmpf oeq, %add3A_69, %eq3A_72 : vector<1024x256xf32>
    %jit3A_74 = arith.constant 256 : i32
    %broadcast_in_dim3A_75 = vector.broadcast %jit3A_74 : i32 to vector<1024x256xi32>
    %select_n3A_76 = arith.select %eq3A_73, %iota3A, %broadcast_in_dim3A_75 : vector<1024x256xi1>, vector<1024x256xi32>
    %reduce_min3A_77 = arith.constant dense<2147483647> : vector<1024xi32>
    %reduce_min3A_78 = vector.multi_reduction <minsi>, %select_n3A_76, %reduce_min3A_77 [1] : vector<1024x256xi32> to vector<1024xi32>
    %broadcast_in_dim3A_79 = vector.shape_cast %reduce_min3A_78 : vector<1024xi32> to vector<1024x1xi32>
    %reduce_sum3A_80 = vector.shape_cast %broadcast_in_dim3A_71 : vector<1024x1xf32> to vector<1x1024x1xf32>
    %reduce_sum3A_81 = arith.constant dense<0.000000e+00> : vector<1xf32>
    %reduce_sum3A_82 = vector.multi_reduction <add>, %reduce_sum3A_80, %reduce_sum3A_81 [1, 2] : vector<1x1024x1xf32> to vector<1xf32>
    %reduce_sum3A_83 = vector.shape_cast %reduce_sum3A_82 : vector<1xf32> to vector<1x1x1xf32>
    %reduce_sum3A_84 = vector.extract %reduce_sum3A_83[0, 0, 0] : f32 from vector<1x1x1xf32>
    %eq3A_85 = vector.broadcast %broadcast_in_dim3A_79 : vector<1024x1xi32> to vector<1024x256xi32>
    %eq3A_86 = arith.cmpi eq, %iota3A, %eq3A_85 : vector<1024x256xi32>
    %convert_element_type3A_87 = arith.extui %eq3A_86 : vector<1024x256xi1> to vector<1024x256xi32>
    %convert_element_type3A_88 = arith.sitofp %convert_element_type3A_87 : vector<1024x256xi32> to vector<1024x256xf32>
    %get3A_89 = arith.constant 0 : index
    %get3A_90 = arith.constant 0 : index
    %get3A_91 = vector.load %arg10[%get3A_89, %get3A_90] : memref<256x512xf32, #tpu.memory_space<vmem>>, vector<256x512xf32>
    %dot_general3A_92 = arith.constant dense<0.000000e+00> : vector<1024x512xf32>
    %dot_general3A_93 = tpu.matmul %convert_element_type3A_88, %get3A_91, %dot_general3A_92 {dimension_numbers = #tpu.dot_dimension_numbers<[1], [0], [0], [1], [0, 0, 1, 1], [], []>, transpose_lhs_hint = false} : vector<1024x256xf32>, vector<256x512xf32>, vector<1024x512xf32> -> vector<1024x512xf32>
    %slice3A_94 = vector.extract_strided_slice %dot_general3A_93 {offsets = [0, 0], sizes = [1024, 256], strides = [1, 1]} : vector<1024x512xf32> to vector<1024x256xf32>
    %slice3A_95 = vector.extract_strided_slice %dot_general3A_93 {offsets = [0, 256], sizes = [1024, 256], strides = [1, 1]} : vector<1024x512xf32> to vector<1024x256xf32>
    %mul3A_96 = arith.mulf %slice3A_95, %add3A_69 : vector<1024x256xf32>
    %reduce_sum3A_97 = vector.shape_cast %mul3A_96 : vector<1024x256xf32> to vector<1x1024x256xf32>
    %reduce_sum3A_98 = arith.constant dense<0.000000e+00> : vector<1xf32>
    %reduce_sum3A_99 = vector.multi_reduction <add>, %reduce_sum3A_97, %reduce_sum3A_98 [1, 2] : vector<1x1024x256xf32> to vector<1xf32>
    %reduce_sum3A_100 = vector.shape_cast %reduce_sum3A_99 : vector<1xf32> to vector<1x1x1xf32>
    %reduce_sum3A_101 = vector.extract %reduce_sum3A_100[0, 0, 0] : f32 from vector<1x1x1xf32>
    %swap3A_102 = arith.constant 0 : index
    %swap3A_103 = arith.constant 0 : index
    %swap3A_104 = vector.load %arg21[%swap3A_102, %swap3A_103] : memref<1024x256xf32, #tpu.memory_space<vmem>>, vector<1024x256xf32>
    tpu.vector_store %arg21[%swap3A_102, %swap3A_103], %slice3A_94 {strides = array<i32>} : memref<1024x256xf32, #tpu.memory_space<vmem>>, vector<1024x256xf32>,
    %get3A_105 = arith.constant 0 : index
    %get3A_106 = arith.constant 0 : index
    %get3A_107 = vector.load %arg12[%get3A_105, %get3A_106] : memref<256x128xf32, #tpu.memory_space<vmem>>, vector<256x128xf32>
    %dot_general3A_108 = arith.constant dense<0.000000e+00> : vector<1024x128xf32>
    %dot_general3A_109 = tpu.matmul %add3A_51, %get3A_107, %dot_general3A_108 {dimension_numbers = #tpu.dot_dimension_numbers<[1], [0], [0], [1], [0, 0, 1, 1], [], []>, transpose_lhs_hint = false} : vector<1024x256xf32>, vector<256x128xf32>, vector<1024x128xf32> -> vector<1024x128xf32>
    %get3A_110 = arith.constant 0 : index
    %get3A_111 = arith.constant 0 : index
    %get3A_112 = vector.load %arg13[%get3A_110, %get3A_111] : memref<1x128xf32, #tpu.memory_space<vmem>>, vector<1x128xf32>
    %add3A_113 = vector.broadcast %get3A_112 : vector<1x128xf32> to vector<1024x128xf32>
    %add3A_114 = arith.addf %dot_general3A_109, %add3A_113 : vector<1024x128xf32>
    %jit3A_115 = arith.constant 0.00999999977 : f32
    %ge3A_116 = arith.constant 0.000000e+00 : f32
    %ge3A_117 = vector.broadcast %ge3A_116 : f32 to vector<1024x128xf32>
    %ge3A_118 = arith.cmpf oge, %add3A_114, %ge3A_117 : vector<1024x128xf32>
    %mul3A_119 = vector.broadcast %jit3A_115 : f32 to vector<1024x128xf32>
    %mul3A_120 = arith.mulf %mul3A_119, %add3A_114 : vector<1024x128xf32>
    %select_n3A_121 = arith.select %ge3A_118, %add3A_114, %mul3A_120 : vector<1024x128xi1>, vector<1024x128xf32>
    %get3A_122 = arith.constant 0 : index
    %get3A_123 = arith.constant 0 : index
    %get3A_124 = vector.load %arg14[%get3A_122, %get3A_123] : memref<128x128xf32, #tpu.memory_space<vmem>>, vector<128x128xf32>
    %dot_general3A_125 = arith.constant dense<0.000000e+00> : vector<1024x128xf32>
    %dot_general3A_126 = tpu.matmul %select_n3A_121, %get3A_124, %dot_general3A_125 {dimension_numbers = #tpu.dot_dimension_numbers<[1], [0], [0], [1], [0, 0, 1, 1], [], []>, transpose_lhs_hint = false} : vector<1024x128xf32>, vector<128x128xf32>, vector<1024x128xf32> -> vector<1024x128xf32>
    %get3A_127 = arith.constant 0 : index
    %get3A_128 = arith.constant 0 : index
    %get3A_129 = vector.load %arg15[%get3A_127, %get3A_128] : memref<1x128xf32, #tpu.memory_space<vmem>>, vector<1x128xf32>
    %add3A_130 = vector.broadcast %get3A_129 : vector<1x128xf32> to vector<1024x128xf32>
    %add3A_131 = arith.addf %dot_general3A_126, %add3A_130 : vector<1024x128xf32>
    %jit3A_132 = arith.constant 0.00999999977 : f32
    %ge3A_133 = arith.constant 0.000000e+00 : f32
    %ge3A_134 = vector.broadcast %ge3A_133 : f32 to vector<1024x128xf32>
    %ge3A_135 = arith.cmpf oge, %add3A_131, %ge3A_134 : vector<1024x128xf32>
    %mul3A_136 = vector.broadcast %jit3A_132 : f32 to vector<1024x128xf32>
    %mul3A_137 = arith.mulf %mul3A_136, %add3A_131 : vector<1024x128xf32>
    %select_n3A_138 = arith.select %ge3A_135, %add3A_131, %mul3A_137 : vector<1024x128xi1>, vector<1024x128xf32>
    %get3A_139 = arith.constant 0 : index
    %get3A_140 = arith.constant 0 : index
    %get3A_141 = vector.load %arg16[%get3A_139, %get3A_140] : memref<128x128xf32, #tpu.memory_space<vmem>>, vector<128x128xf32>
    %dot_general3A_142 = arith.constant dense<0.000000e+00> : vector<1024x128xf32>
    %dot_general3A_143 = tpu.matmul %select_n3A_138, %get3A_141, %dot_general3A_142 {dimension_numbers = #tpu.dot_dimension_numbers<[1], [0], [0], [1], [0, 0, 1, 1], [], []>, transpose_lhs_hint = false} : vector<1024x128xf32>, vector<128x128xf32>, vector<1024x128xf32> -> vector<1024x128xf32>
    %get3A_144 = arith.constant 0 : index
    %get3A_145 = arith.constant 0 : index
    %get3A_146 = vector.load %arg17[%get3A_144, %get3A_145] : memref<1x128xf32, #tpu.memory_space<vmem>>, vector<1x128xf32>
    %add3A_147 = vector.broadcast %get3A_146 : vector<1x128xf32> to vector<1024x128xf32>
    %add3A_148 = arith.addf %dot_general3A_143, %add3A_147 : vector<1024x128xf32>
    %jit3A_149 = arith.constant 0.00999999977 : f32
    %ge3A_150 = arith.constant 0.000000e+00 : f32
    %ge3A_151 = vector.broadcast %ge3A_150 : f32 to vector<1024x128xf32>
    %ge3A_152 = arith.cmpf oge, %add3A_148, %ge3A_151 : vector<1024x128xf32>
    %mul3A_153 = vector.broadcast %jit3A_149 : f32 to vector<1024x128xf32>
    %mul3A_154 = arith.mulf %mul3A_153, %add3A_148 : vector<1024x128xf32>
    %select_n3A_155 = arith.select %ge3A_152, %add3A_148, %mul3A_154 : vector<1024x128xi1>, vector<1024x128xf32>
    %get3A_156 = arith.constant 0 : index
    %get3A_157 = arith.constant 0 : index
    %get3A_158 = vector.load %arg18[%get3A_156, %get3A_157] : memref<128x128xf32, #tpu.memory_space<vmem>>, vector<128x128xf32>
    %dot_general3A_159 = arith.constant dense<0.000000e+00> : vector<1024x128xf32>
    %dot_general3A_160 = tpu.matmul %select_n3A_155, %get3A_158, %dot_general3A_159 {dimension_numbers = #tpu.dot_dimension_numbers<[1], [0], [0], [1], [0, 0, 1, 1], [], []>, transpose_lhs_hint = false} : vector<1024x128xf32>, vector<128x128xf32>, vector<1024x128xf32> -> vector<1024x128xf32>
    %get3A_161 = arith.constant 0 : index
    %get3A_162 = arith.constant 0 : index
    %get3A_163 = vector.load %arg19[%get3A_161, %get3A_162] : memref<1x128xf32, #tpu.memory_space<vmem>>, vector<1x128xf32>
    %add3A_164 = vector.broadcast %get3A_163 : vector<1x128xf32> to vector<1024x128xf32>
    %add3A_165 = arith.addf %dot_general3A_160, %add3A_164 : vector<1024x128xf32>
    %jit3A_166 = arith.constant 0.00999999977 : f32
    %ge3A_167 = arith.constant 0.000000e+00 : f32
    %ge3A_168 = vector.broadcast %ge3A_167 : f32 to vector<1024x128xf32>
    %ge3A_169 = arith.cmpf oge, %add3A_165, %ge3A_168 : vector<1024x128xf32>
    %mul3A_170 = vector.broadcast %jit3A_166 : f32 to vector<1024x128xf32>
    %mul3A_171 = arith.mulf %mul3A_170, %add3A_165 : vector<1024x128xf32>
    %select_n3A_172 = arith.select %ge3A_169, %add3A_165, %mul3A_171 : vector<1024x128xi1>, vector<1024x128xf32>
    %slice3A_173 = vector.extract_strided_slice %select_n3A_172 {offsets = [0, 0], sizes = [1024, 1], strides = [1, 1]} : vector<1024x128xf32> to vector<1024x1xf32>
    %swap3A_174 = arith.constant 0 : index
    %swap3A_175 = arith.constant 0 : index
    %swap3A_176 = vector.load %arg22[%swap3A_174, %swap3A_175] : memref<1024x1xf32, #tpu.memory_space<vmem>>, vector<1024x1xf32>
    tpu.vector_store %arg22[%swap3A_174, %swap3A_175], %slice3A_173 {strides = array<i32>} : memref<1024x1xf32, #tpu.memory_space<vmem>>, vector<1024x1xf32>,
    %get3A_177 = arith.constant 0 : index
    %get3A_178 = arith.constant 0 : index
    %get3A_179 = vector.load %arg26[%get3A_177, %get3A_178] : memref<256x128xf32, #tpu.memory_space<vmem>>, vector<256x128xf32>
    %dot_general3A_180 = arith.constant dense<0.000000e+00> : vector<1024x128xf32>
    %dot_general3A_181 = tpu.matmul %convert_element_type3A_88, %get3A_179, %dot_general3A_180 {dimension_numbers = #tpu.dot_dimension_numbers<[1], [0], [0], [1], [0, 0, 1, 1], [], []>, transpose_lhs_hint = false} : vector<1024x256xf32>, vector<256x128xf32>, vector<1024x128xf32> -> vector<1024x128xf32>
    %slice3A_182 = vector.extract_strided_slice %dot_general3A_181 {offsets = [0, 0], sizes = [1024, 1], strides = [1, 1]} : vector<1024x128xf32> to vector<1024x1xf32>
    %swap3A_183 = arith.constant 0 : index
    %swap3A_184 = arith.constant 0 : index
    %swap3A_185 = vector.load %arg23[%swap3A_183, %swap3A_184] : memref<1024x1xf32, #tpu.memory_space<vmem>>, vector<1024x1xf32>
    tpu.vector_store %arg23[%swap3A_183, %swap3A_184], %slice3A_182 {strides = array<i32>} : memref<1024x1xf32, #tpu.memory_space<vmem>>, vector<1024x1xf32>,
    %eq3A_186 = arith.constant 0 : i32
    %eq3A_187 = arith.cmpi eq, %arg0, %eq3A_186 : i32
    %convert_element_type3A_188 = arith.extui %eq3A_187 : i1 to i32
    %cond3A_189 = arith.constant 0 : i32
    %cond3A_190 = arith.cmpi ne, %convert_element_type3A_188, %cond3A_189 : i32
    scf.if %cond3A_190 {
      %broadcast_in_dim3A_207 = arith.constant 0.000000e+00 : f32
      %broadcast_in_dim3A_208 = vector.broadcast %broadcast_in_dim3A_207 : f32 to vector<1x1xf32>
      %swap3A_209 = arith.constant 0 : index
      %swap3A_210 = arith.constant 0 : index
      %swap3A_211 = vector.load %arg24[%swap3A_209, %swap3A_210] : memref<1x1xf32, #tpu.memory_space<vmem>>, vector<1x1xf32>
      tpu.vector_store %arg24[%swap3A_209, %swap3A_210], %broadcast_in_dim3A_208 {strides = array<i32>} : memref<1x1xf32, #tpu.memory_space<vmem>>, vector<1x1xf32>,
      %broadcast_in_dim3A_212 = arith.constant 0.000000e+00 : f32
      %broadcast_in_dim3A_213 = vector.broadcast %broadcast_in_dim3A_212 : f32 to vector<1x1xf32>
      %swap3A_214 = arith.constant 0 : index
      %swap3A_215 = arith.constant 0 : index
      %swap3A_216 = vector.load %arg25[%swap3A_214, %swap3A_215] : memref<1x1xf32, #tpu.memory_space<vmem>>, vector<1x1xf32>
      tpu.vector_store %arg25[%swap3A_214, %swap3A_215], %broadcast_in_dim3A_213 {strides = array<i32>} : memref<1x1xf32, #tpu.memory_space<vmem>>, vector<1x1xf32>,
    } else {
    }
    %get3A_191 = arith.constant 0 : index
    %get3A_192 = arith.constant 0 : index
    %get3A_193 = vector.load %arg24[%get3A_191, %get3A_192] : memref<1x1xf32, #tpu.memory_space<vmem>>, vector<1x1xf32>
    %add3A_194 = vector.broadcast %reduce_sum3A_84 : f32 to vector<1x1xf32>
    %add3A_195 = arith.addf %get3A_193, %add3A_194 : vector<1x1xf32>
    %swap3A_196 = arith.constant 0 : index
    %swap3A_197 = arith.constant 0 : index
    %swap3A_198 = vector.load %arg24[%swap3A_196, %swap3A_197] : memref<1x1xf32, #tpu.memory_space<vmem>>, vector<1x1xf32>
    tpu.vector_store %arg24[%swap3A_196, %swap3A_197], %add3A_195 {strides = array<i32>} : memref<1x1xf32, #tpu.memory_space<vmem>>, vector<1x1xf32>,
    %get3A_199 = arith.constant 0 : index
    %get3A_200 = arith.constant 0 : index
    %get3A_201 = vector.load %arg25[%get3A_199, %get3A_200] : memref<1x1xf32, #tpu.memory_space<vmem>>, vector<1x1xf32>
    %add3A_202 = vector.broadcast %reduce_sum3A_101 : f32 to vector<1x1xf32>
    %add3A_203 = arith.addf %get3A_201, %add3A_202 : vector<1x1xf32>
    %swap3A_204 = arith.constant 0 : index
    %swap3A_205 = arith.constant 0 : index
    %swap3A_206 = vector.load %arg25[%swap3A_204, %swap3A_205] : memref<1x1xf32, #tpu.memory_space<vmem>>, vector<1x1xf32>
    tpu.vector_store %arg25[%swap3A_204, %swap3A_205], %add3A_203 {strides = array<i32>} : memref<1x1xf32, #tpu.memory_space<vmem>>, vector<1x1xf32>,
    return
  }
  func.func @transform_0(%arg0: i32) -> (i32, i32) {
    %c0_i32 = arith.constant 0 : i32
    %c0_i32_0 = arith.constant 0 : i32
    return %arg0, %c0_i32 : i32, i32
  }
  func.func @transform_1(%arg0: i32) -> (i32, i32) {
    %c0_i32 = arith.constant 0 : i32
    %c0_i32_0 = arith.constant 0 : i32
    return %arg0, %c0_i32 : i32, i32
  }
  func.func @transform_2(%arg0: i32) -> (i32, i32) {
    %c0_i32 = arith.constant 0 : i32
    %c0_i32_0 = arith.constant 0 : i32
    %c0_i32_1 = arith.constant 0 : i32
    return %c0_i32, %c0_i32_0 : i32, i32
  }
  func.func @transform_3(%arg0: i32) -> (i32, i32) {
    %c0_i32 = arith.constant 0 : i32
    %c0_i32_0 = arith.constant 0 : i32
    %c0_i32_1 = arith.constant 0 : i32
    return %c0_i32, %c0_i32_0 : i32, i32
  }
  func.func @transform_4(%arg0: i32) -> (i32, i32) {
    %c0_i32 = arith.constant 0 : i32
    %c0_i32_0 = arith.constant 0 : i32
    %c0_i32_1 = arith.constant 0 : i32
    return %c0_i32, %c0_i32_0 : i32, i32
  }
  func.func @transform_5(%arg0: i32) -> (i32, i32) {
    %c0_i32 = arith.constant 0 : i32
    %c0_i32_0 = arith.constant 0 : i32
    %c0_i32_1 = arith.constant 0 : i32
    return %c0_i32, %c0_i32_0 : i32, i32
  }
  func.func @transform_6(%arg0: i32) -> (i32, i32) {
    %c0_i32 = arith.constant 0 : i32
    %c0_i32_0 = arith.constant 0 : i32
    %c0_i32_1 = arith.constant 0 : i32
    return %c0_i32, %c0_i32_0 : i32, i32
  }
  func.func @transform_7(%arg0: i32) -> (i32, i32) {
    %c0_i32 = arith.constant 0 : i32
    %c0_i32_0 = arith.constant 0 : i32
    %c0_i32_1 = arith.constant 0 : i32
    return %c0_i32, %c0_i32_0 : i32, i32
  }
  func.func @transform_8(%arg0: i32) -> (i32, i32) {
    %c0_i32 = arith.constant 0 : i32
    %c0_i32_0 = arith.constant 0 : i32
    %c0_i32_1 = arith.constant 0 : i32
    return %c0_i32, %c0_i32_0 : i32, i32
  }
  func.func @transform_9(%arg0: i32) -> (i32, i32) {
    %c0_i32 = arith.constant 0 : i32
    %c0_i32_0 = arith.constant 0 : i32
    %c0_i32_1 = arith.constant 0 : i32
    return %c0_i32, %c0_i32_0 : i32, i32
  }
  func.func @transform_10(%arg0: i32) -> (i32, i32) {
    %c0_i32 = arith.constant 0 : i32
    %c0_i32_0 = arith.constant 0 : i32
    %c0_i32_1 = arith.constant 0 : i32
    return %c0_i32, %c0_i32_0 : i32, i32
  }
  func.func @transform_11(%arg0: i32) -> (i32, i32) {
    %c0_i32 = arith.constant 0 : i32
    %c0_i32_0 = arith.constant 0 : i32
    %c0_i32_1 = arith.constant 0 : i32
    return %c0_i32, %c0_i32_0 : i32, i32
  }
  func.func @transform_12(%arg0: i32) -> (i32, i32) {
    %c0_i32 = arith.constant 0 : i32
    %c0_i32_0 = arith.constant 0 : i32
    %c0_i32_1 = arith.constant 0 : i32
    return %c0_i32, %c0_i32_0 : i32, i32
  }
  func.func @transform_13(%arg0: i32) -> (i32, i32) {
    %c0_i32 = arith.constant 0 : i32
    %c0_i32_0 = arith.constant 0 : i32
    %c0_i32_1 = arith.constant 0 : i32
    return %c0_i32, %c0_i32_0 : i32, i32
  }
  func.func @transform_14(%arg0: i32) -> (i32, i32) {
    %c0_i32 = arith.constant 0 : i32
    %c0_i32_0 = arith.constant 0 : i32
    %c0_i32_1 = arith.constant 0 : i32
    return %c0_i32, %c0_i32_0 : i32, i32
  }
  func.func @transform_15(%arg0: i32) -> (i32, i32) {
    %c0_i32 = arith.constant 0 : i32
    %c0_i32_0 = arith.constant 0 : i32
    %c0_i32_1 = arith.constant 0 : i32
    return %c0_i32, %c0_i32_0 : i32, i32
  }
  func.func @transform_16(%arg0: i32) -> (i32, i32) {
    %c0_i32 = arith.constant 0 : i32
    %c0_i32_0 = arith.constant 0 : i32
    %c0_i32_1 = arith.constant 0 : i32
    return %c0_i32, %c0_i32_0 : i32, i32
  }
  func.func @transform_17(%arg0: i32) -> (i32, i32) {
    %c0_i32 = arith.constant 0 : i32
    %c0_i32_0 = arith.constant 0 : i32
    %c0_i32_1 = arith.constant 0 : i32
    return %c0_i32, %c0_i32_0 : i32, i32
  }
  func.func @transform_18(%arg0: i32) -> (i32, i32) {
    %c0_i32 = arith.constant 0 : i32
    %c0_i32_0 = arith.constant 0 : i32
    %c0_i32_1 = arith.constant 0 : i32
    return %c0_i32, %c0_i32_0 : i32, i32
  }
  func.func @transform_19(%arg0: i32) -> (i32, i32) {
    %c0_i32 = arith.constant 0 : i32
    %c0_i32_0 = arith.constant 0 : i32
    return %arg0, %c0_i32 : i32, i32
  }
  func.func @transform_20(%arg0: i32) -> (i32, i32) {
    %c0_i32 = arith.constant 0 : i32
    %c0_i32_0 = arith.constant 0 : i32
    return %arg0, %c0_i32 : i32, i32
  }
  func.func @transform_21(%arg0: i32) -> (i32, i32) {
    %c0_i32 = arith.constant 0 : i32
    %c0_i32_0 = arith.constant 0 : i32
    return %arg0, %c0_i32 : i32, i32
  }
  func.func @transform_22(%arg0: i32) -> (i32, i32) {
    %c0_i32 = arith.constant 0 : i32
    %c0_i32_0 = arith.constant 0 : i32
    return %arg0, %c0_i32 : i32, i32
  }
  func.func @transform_23(%arg0: i32) -> (i32, i32) {
    %c0_i32 = arith.constant 0 : i32
    %c0_i32_0 = arith.constant 0 : i32
    %c0_i32_1 = arith.constant 0 : i32
    return %c0_i32, %c0_i32_0 : i32, i32
  }
  func.func @transform_24(%arg0: i32) -> (i32, i32) {
    %c0_i32 = arith.constant 0 : i32
    %c0_i32_0 = arith.constant 0 : i32
    %c0_i32_1 = arith.constant 0 : i32
    return %c0_i32, %c0_i32_0 : i32, i32
  }
}

</mosaic_0001>

<sc_bundles>
// kernel: scatter_offload_async_start.1
scs
__scs_entry_jumppad:
0x0: {  	(pc) =	sbr.rel $0x88, $3  }
0x1: {  	(tag) =	ssettag $0x0;
	lr =	simm.s32 $0x1  }
0x2: {  	[smem:$0x3F8E] =	sst lr;
	_ =	strace $0xD0000000  }
0x3: {  	_ = 	snop  }
0x4: {  	_ = 	snop  }
0x5: {  	_ = 	snop  }
0x6: {  	_ = 	snop  }
0x7: {  	_ = 	snop  }
__scs_overlays_trampoline_lowered:
0x8: {  	[smem:$0x3F9D] =	sst s0  }
0x9: {  	[smem:$0x3F9E] =	sst s1  }
0xa: {  	[smem:$0x3F9F] =	sst s2  }
0xb: {  	[smem:$0x3FA0] =	sst s3  }
0xc: {  	[smem:$0x3FA1] =	sst s4  }
0xd: {  	[smem:$0x3FA2] =	sst s5  }
0xe: {  	[smem:$0x3FA3] =	sst s6  }
0xf: {  	[smem:$0x3FA4] =	sst s7  }
0x10: {  	[smem:$0x3FA5] =	sst s8  }
0x11: {  	[smem:$0x3FA6] =	sst s9;
	s0 =	simm.s32 @!p0 $0x0  }
0x12: {  	s1 =	sld [smem:$0x3F8C];
	s0 =	simm.s32 @p0 $0x1  }
0x13: {  	[smem:$0x3FA7] =	sst s0;
	s0 =	simm.s32 @!p1 $0x0  }
0x14: {  	s2 =	sld [smem:$0x3F8B];
	s0 =	simm.s32 @p1 $0x1  }
0x15: {  	[smem:$0x3FA8] =	sst s0;
	s0 =	simm.s32 @!p2 $0x0  }
0x16: {  	s3 =	sld [smem:$0x3FDB];
	s0 =	simm.s32 @p2 $0x1  }
0x17: {  	s4 =	simm.s32 $0x1BF5;
	[smem:$0x3FAA] =	sst s0  }
0x18: {  	s0 =	sld [smem:$0x3F8D];
	_ =	swait.ge [sflag:s4], $0x0  }
0x19: {  	s7 =	sld [smem:$0x3F8E]  }
0x1a: {  	s8 =	sadd.s32 $0xFFFFE003, lr  }
0x1b: {  	s9 =	sadd.s32 $0xFFFFFEF7, lr;
	s5 =	simm.s32 $0xFFFFFFFF;
	p2 =	slt.u32 s8, $0xFFFFF086  }
0x1c: {  	p1 =	slt.u32 s9, $0xF7A;
	s5 =	simm.s32 @!p2 $0x0  }
0x1d: {  	s5 =	simm.s32 @p1 $0x1;
	p0 =	seq.s32 s7, s2  }
0x1e: {  	s7 =	smul.u32 @!p0 $0xF7A, s2;
	p2 =	seq.s32 @!p0 s5, $0x0  }
0x1f: {  	s9 =	smul.u32 $0xF7A, s1;
	s8 =	simm.s32 @!p0 $0x1BF5;
	p2 =	por !p2, p0  }
0x20: {  	[sflag:s8] =	ssyncset.s32 @!p0 $0xFFFFF086;
	s6 =	sadd.s32 @!p0 s3, s7;
	s7 =	simm.s32 @!p0 $0x108  }
0x21: {  	s3 =	sadd.s32 s3, s9;
	s6 =	sadd.s32 @!p0 $0x88, s6;
	s7 =	simm.s32 @p2 $0x1082  }
0x22: {  	[simem:s7], [sflag:s8] =	dma.local @!p0 [hbm:s6], $0xF7A  }
0x23: {  	s9 =	sor.u32 $0xD0000000, s2;
	s6 =	simm.s32 $0x108;
	_ =	swait.ge @!p0 [sflag:s8], $0x0  }
0x24: {  	s3 =	sadd.s32 $0x88, s3;
	s6 =	simm.s32 @!p1 $0x1082;
	[sflag:s4] =	ssyncset.s32 $0xFFFFF086  }
0x25: {  	[simem:s6], [sflag:s4] =	dma.local [hbm:s3], $0xF7A  }
0x26: {  	[smem:$0x3F8E] =	sst s1;
	(tag) =	ssettag s2;
	_ =	strace s9  }
0x27: {  	s1 =	sld [smem:$0x3F9E]  }
0x28: {  	s2 =	sld [smem:$0x3F9F]  }
0x29: {  	s4 =	sld [smem:$0x3FA1]  }
0x2a: {  	p0 =	seq.s32 s5, $0x0;
	s5 =	sld [smem:$0x3FA2]  }
0x2b: {  	s6 =	sld [smem:$0x3FA3]  }
0x2c: {  	s7 =	sld [smem:$0x3FA4]  }
0x2d: {  	s3 =	simm.s32 $0x108;
	s8 =	sld [smem:$0x3FA5]  }
0x2e: {  	s3 =	simm.s32 @!p0 $0x1082;
	s9 =	sld [smem:$0x3FA6]  }
0x2f: {  	lr =	sadd.s32 s0, s3;
	s0 =	sld [smem:$0x3F9D]  }
0x30: {  	s3 =	sld [smem:$0x3FA0]  }
0x31: {  	[smem:$0x3FA9] =	sst s10  }
0x32: {  	s10 =	sld [smem:$0x3FA7];
	_ =	sdelay $0x3  }
0x33: {  	p0 =	seq.s32 s10, $0x1;
	s10 =	sld [smem:$0x3FA9];
	_ =	sdelay $0x3  }
0x34: {  	[smem:$0x3FA9] =	sst s10  }
0x35: {  	s10 =	sld [smem:$0x3FA8];
	_ =	sdelay $0x3  }
0x36: {  	p1 =	seq.s32 s10, $0x1;
	s10 =	sld [smem:$0x3FA9];
	_ =	sdelay $0x3  }
0x37: {  	[smem:$0x3FA9] =	sst s10  }
0x38: {  	s10 =	sld [smem:$0x3FAA]  }
0x39: {  	_ = 	snop;
	(pc) =	sbr.ind lr, $3  }
0x3a: {  	_ = 	snop  }
0x3b: {  	_ = 	snop  }
0x3c: {  	p2 =	seq.s32 s10, $0x1;
	s10 =	sld [smem:$0x3FA9]  }
0x3d: {  	_ =	shalt  }
0x3e: {  	_ =	shalt  }
0x3f: {  	_ =	shalt  }
0x40: {  	_ =	shalt  }
0x41: {  	_ =	shalt  }
0x42: {  	_ =	shalt  }
0x43: {  	_ =	shalt  }
0x44: {  	_ =	shalt  }
0x45: {  	_ =	shalt  }
0x46: {  	_ =	shalt  }
0x47: {  	_ =	shalt  }
0x48: {  	_ =	shalt  }
0x49: {  	_ =	shalt  }
0x4a: {  	_ =	shalt  }
0x4b: {  	_ =	shalt  }
0x4c: {  	_ =	shalt  }
0x4d: {  	_ =	shalt  }
0x4e: {  	_ =	shalt  }
0x4f: {  	_ =	shalt  }
0x50: {  	_ =	shalt  }
0x51: {  	_ =	shalt  }
0x52: {  	_ =	shalt  }
0x53: {  	_ =	shalt  }
0x54: {  	_ =	shalt  }
0x55: {  	_ =	shalt  }
0x56: {  	_ =	shalt  }
0x57: {  	_ =	shalt  }
0x58: {  	_ =	shalt  }
0x59: {  	_ =	shalt  }
0x5a: {  	_ =	shalt  }
0x5b: {  	_ =	shalt  }
0x5c: {  	_ =	shalt  }
0x5d: {  	_ =	shalt  }
0x5e: {  	_ =	shalt  }
0x5f: {  	_ =	shalt  }
0x60: {  	_ =	shalt  }
0x61: {  	_ =	shalt  }
0x62: {  	_ =	shalt  }
0x63: {  	_ =	shalt  }
0x64: {  	_ =	shalt  }
0x65: {  	_ =	shalt  }
0x66: {  	_ =	shalt  }
0x67: {  	_ =	shalt  }
0x68: {  	_ =	shalt  }
0x69: {  	_ =	shalt  }
0x6a: {  	_ =	shalt  }
0x6b: {  	_ =	shalt  }
0x6c: {  	_ =	shalt  }
0x6d: {  	_ =	shalt  }
0x6e: {  	_ =	shalt  }
0x6f: {  	_ =	shalt  }
0x70: {  	_ =	shalt  }
0x71: {  	_ =	shalt  }
0x72: {  	_ =	shalt  }
0x73: {  	_ =	shalt  }
0x74: {  	_ =	shalt  }
0x75: {  	_ =	shalt  }
0x76: {  	_ =	shalt  }
0x77: {  	_ =	shalt  }
0x78: {  	_ =	shalt  }
0x79: {  	_ =	shalt  }
0x7a: {  	_ =	shalt  }
0x7b: {  	_ =	shalt  }
0x7c: {  	_ =	shalt  }
0x7d: {  	_ =	shalt  }
0x7e: {  	_ =	shalt  }
0x7f: {  	_ =	shalt  }
0x80: {  	_ =	shalt  }
0x81: {  	_ =	shalt  }
0x82: {  	_ =	shalt  }
0x83: {  	_ =	shalt  }
0x84: {  	_ =	shalt  }
0x85: {  	_ =	shalt  }
0x86: {  	_ =	shalt  }
0x87: {  	_ =	shalt  }
.Lfunc_end0:
.L_simem_size_0:
called_computation.1_lowered:
.L_overlay_start_0:
0x88: {  	s0 =	sld [smem:$0x3FD9]  }
0x89: {  	s1 =	sld [smem:$0x3FFE];
	_ =	sdelay $0x3  }
0x8a: {  	s0 =	sadd.s32 s1, s0  }
0x8b: {  	[smem:$0x3FB5] =	sst s0  }
0x8c: {  	_ = 	snop  }
0x8d: {  	s0 =	sld [smem:$0x3FD0];
	_ =	sdelay $0x2  }
0x8e: {  	s13 =	simm.s32 $0xA;
	s2 =	simm.s32 $0x10  }
0x8f: {  	[smem:s2], [sflag:s13] =	dma.local [hbm:s0], $0x1  }
0x90: {  	_ =	swait.eq [sflag:s13], $0x1  }
0x91: {  	[sflag:s13] =	ssyncset.done $0x0  }
0x92: {  	s14 =	sld [smem:$0x10];
	[sflag:s13] =	ssyncadd.s32 $0xFFFFFFFF  }
0x93: {  	s15 =	sld [smem:$0x11];
	(tm) =	ssettm $0x1  }
0x94: {  	s16 =	sld [smem:$0x3FFB];
	_ =	sdelay $0x3  }
0x95: {  	_ =	strace s16  }
0x96: {  	s2 =	sld [smem:$0x3FFC];
	_ =	sdelay $0x3  }
0x97: {  	_ =	strace s2  }
0x98: {  	s2 =	sld [smem:$0x3FFD];
	_ =	sdelay $0x3  }
0x99: {  	_ =	strace s2  }
0x9a: {  	_ =	strace $0x8FFFFFFF  }
0x9b: {  	s17 =	sld [smem:$0x3FDB];
	_ =	sdelay $0x1  }
0x9c: {  	s3 =	simm.s32 $_scs_section_size  }
0x9d: {  	s4 =	simm.s32 $_size__tile_overlayer_lowered;
	s5 =	simm.s32 $_tile_overlayer_lowered  }
0x9e: {  	s20 =	simm.s32 $0x1BFF;
	s19 =	sshll.u32 s5, $0x1;
	s2 =	sadd.s32 s3, s17  }
0x9f: {  	s6 =	simm.s32 $0x0;
	s18 =	sshll.u32 s4, $0x1;
	s4 =	sadd.s32 s19, s2  }
0xa0: {  	[timem:s6], [sflag:s20] =	dma.local [hbm:s4], s18  }
0xa1: {  	_ =	swait.ge [sflag:s20], s18  }
0xa2: {  	s3 =	ssub.s32 $0x0, s18;
	[sflag:s20] =	ssyncset.done $0x0  }
0xa3: {  	[sflag:s20] =	ssyncadd.s32 s3;
	_ =	sdelay $0x1  }
0xa4: {  	s21 =	simm.s32 $0x1B8B  }
0xa5: {  	_ =	swait.ge [sflag:s21], $0x1  }
0xa6: {  	[sflag:s21] =	ssyncset.done $0x0  }
0xa7: {  	s23 =	simm.s32 $0x1B8E;
	s22 =	sld [smem:$0x3FFE];
	[sflag:s21] =	ssyncadd.s32 $0xFFFFFFFF  }
0xa8: {  	s24 =	simm.s32 $execute0_lowered;
	[smem:$0x3FD2] =	sst s23  }
0xa9: {  	s4 =	sshll.u32 s24, $0x1;
	_ =	strace $0x80000049;
	[dreg:$0x1] =	wrdreg $0xFFFFFFFF  }
0xaa: {  	s25 =	simm.s32 $_size_execute0_lowered;
	s2 =	sadd.s32 s2, s4;
	[dreg:$0x0] =	wrdreg $0x0  }
0xab: {  	s4 =	sshll.u32 s25, $0x1;
	[dreg:$0x2] =	wrdreg s2  }
0xac: {  	[dreg:$0x3] =	wrdreg s4  }
0xad: {  	[dreg:$0x4] =	wrdreg $0xC0  }
0xae: {  	_ =	task [dreg:s6], $0x5FFFF  }
0xaf: {  	[dreg:$0x1] =	wrdreg $0xFFFFFFFF  }
0xb0: {  	[dreg:$0x0] =	wrdreg $0x60  }
0xb1: {  	[dreg:$0x2] =	wrdreg s15  }
0xb2: {  	[dreg:$0x3] =	wrdreg s14  }
0xb3: {  	[dreg:$0x4] =	wrdreg s22  }
0xb4: {  	[dreg:$0x5] =	wrdreg $0x9  }
0xb5: {  	_ =	task.clear_ibuf [dreg:s6], $0x6FFFF;
	_ =	strace $0x90000049  }
0xb6: {  	s26 =	simm.s32 $0x9;
	_ =	strace $0x8000004B  }
0xb7: {  	_ =	swait.ge [sflag:s26], $0x1  }
0xb8: {  	[sflag:s26] =	ssyncadd.s32 $0xFFFFFFFF  }
0xb9: {  	_ =	strace $0x9000004B  }
0xba: {  	_ =	sfence  }
0xbb: {  	s28 =	sld [smem:$0x0];
	_ =	sdelay $0x1  }
0xbc: {  	s29 =	srdreg.scid  }
0xbd: {  	s30 =	sshll.u32 s29, $0xD;
	s31 =	sshrl.u32 s29, $0x2  }
0xbe: {  	s1 =	sand.u32 $0x1, s29;
	s2 =	sand.u32 $0x4000, s30;
	s0 =	sadd.s32 s31, s28  }
0xbf: {  	s1 =	sor.u32 s2, s1;
	s0 =	sshll.u32 s0, $0x11  }
0xc0: {  	s0 =	sor.u32 s0, s1  }
0xc1: {  	s0 =	sadd.s32 $0x8F2B, s0  }
0xc2: {  	[sflag:s0] =	ssyncadd.remote.s32 $0x1  }
0xc3: {  	_ =	sfence.sel $0xFFFF  }
0xc4: {  	[dreg:$0x0] =	wrdreg $0xFFFFFFFF;
	(pc) =	sbr.abs _section_cstart, $3  }
0xc5: {  	[dreg:$0x1] =	wrdreg $0xFFFFFFFF  }
0xc6: {  	_ =	task.clear_ibuf [dreg:s6], $0x2FFFF;
	_ =	strace $0x9FFFFFFF  }
0xc7: {  	(tm) =	ssettm $0x7FFFFFFF  }
tec
execute0_lowered:
.L_overlay_start_1:
0x0: {  	(tag) =	ssettag $0x1  }
0x1: {  	s1 =	rddreg [dreg:$0x0]  }
0x2: {  	s3 =	rddreg [dreg:$0x1]  }
0x3: {  	s2 =	rddreg [dreg:$0x2]  }
0x4: {  	s0 =	rddreg [dreg:$0x3];
	_ =	strace $0x8000004A;
	s4 =	simm.s32 $0x1  }
0x5: {  	v1 =	vimm.s32 $0xFFFFFFFF;
	[sflag:s4] =	ssyncpa.u1 $0x0  }
0x6: {  	[tilespmem:$0x10] =	vst v1  }
0x7: {  	v0 =	vimm.f32 $0.0e+00;
	[tilespmem:$0x20] =	vst v1  }
0x8: {  	[tilespmem:$0x30] =	vst v0  }
0x9: {  	[tilespmem:$0x40] =	vst v0  }
0xa: {  	s31 =	simm.s32 $0x2;
	[tilespmem:$0x50] =	vst v0  }
0xb: {  	s5 =	simm.s32 $0x7;
	s7 =	simm.s32 $0x8;
	s10 =	simm.s32 $0x9;
	[tilespmem:$0x60] =	vst v1  }
0xc: {  	s13 =	simm.s32 $0x0;
	s14 =	simm.s32 $0x100;
	s15 =	simm.s32 $0x130;
	[tilespmem:$0x70] =	vst v1  }
0xd: {  	s16 =	simm.s32 $0x150;
	s17 =	simm.s32 $0xF;
	s18 =	simm.s32 $0x30;
	[tilespmem:$0x80] =	vst v1  }
0xe: {  	s19 =	simm.s32 $0x0;
	s20 =	simm.s32 $0x0;
	s23 =	simm.s32 $0x0;
	v1 =	vimm.s32 $0x0;
	[tilespmem:$0xB0] =	vst v0  }
.Ltmp0:
0xf: {  	s4 =	sadd.s32 $0xA00, s2;
	s2 =	stileid.u32;
	[tilespmem:$0x90] =	vst v1;
	(pc) =	sbr.rel .LBB2_1-.Ltmp0, $4  }
0x10: {  	s21 =	simm.s32 $0x0;
	s6 =	sshll.u32 s2, $0x4;
	[tilespmem:$0xA0] =	vst v1;
	[sflag:s31] =	ssyncpa.u1 $0x0  }
0x11: {  	s8 =	sshll.u32 s2, $0x1;
	s11 =	sshllo.u32 s2, $0x1;
	[sflag:s5] =	ssyncpa.u1 $0x0  }
0x12: {  	vm0 =	vmmov $0xffff;
	s9 =	sadd.s32 $0x10, s6;
	s12 =	sor.u32 $0x80, s8;
	[sflag:s7] =	ssyncpa.u1 $0x0  }
0x13: {  	v2 =	vlaneseq.u32;
	vm1 =	vmxor vm1, vm1;
	vm2 =	vmmov $0x1;
	s22 =	smov.u32 s6;
	[sflag:s10] =	ssyncpa.u1 $0x0;
	s10 =	sor.u32 $0x81, s8  }
.LBB2_7:
0x14: {  	_ =	swait.ge [sflag:s5], $0x10  }
0x15: {  	[sflag:s5] =	ssyncset.done $0x0  }
0x16: {  	[sflag:s5] =	ssyncadd.s32 $0xFFFFFFF0;
	(ifvalue) =	ssetifvalue $0xFFFFFFFF;
	v3 =	vld.msk [tilespmem:s14+$0x0 ss:$0x1], $0xffff;
	_ =	sdelay $0x4  }
0x17: {  	v4 =	vshrl.u32 v3, $0x8;
	vm3 =	veq.s32 v3, $0x80000000;
	v3 =	vand.u32 $0xFF, v3  }
0x18: {  	v4 =	vand.u32 $0xFF, v4;
	v3 =	vsel vm3, $0xFFFFFFFF, v3  }
0x19: {  	v4 =	vsel vm3, $0xFFFFFFFF, v4;
	v6 =	vshll.u32 v3, $0x8  }
0x1a: {  	v3 =	vshll.u32 v3, $0x7;
	v5 =	vand.u32 $0x7F, v4;
	v4 =	vshll.u32 v4, $0x3  }
0x1b: {  	v6 =	vand.u32 $0xFFFFF800, v6;
	v3 =	vand.u32 $0x380, v3;
	v4 =	vand.u32 $0xFFFFFC00, v4  }
0x1c: {  	v3 =	vor.u32 v5, v3;
	v4 =	vadd.s32 v6, v4  }
0x1d: {  	v3 =	vor.u32 v4, v3  }
0x1e: {  	v59 =	vperm.xlane v3, v1  }
0x1f: {  	vm3 =	vlt.u32 v4, $0x10000  }
0x20: {  	v3 =	vnsel vm3, $0xFFFFFFFE, v3;
	vm3 =	vlt.u32 v59, $0x10000  }
0x21: {  	[tilespmem:$0x70] =	vst v3;
	v3 =	vnsel vm3, $0xFFFFFFFE, v59  }
0x22: {  	[tilespmem:$0x80] =	vst v3  }
0x23: {  	v3 =	vld.msk [tilespmem:s14+$0x0 ss:$0x1], $0xffff;
	_ =	sdelay $0x4  }
0x24: {  	v60 =	vshrl.u32 v3, $0x8;
	vm3 =	veq.s32 v3, $0x80000000;
	v3 =	vand.u32 $0xFF, v3  }
0x25: {  	v4 =	vand.u32 $0xFF, v60;
	v3 =	vsel vm3, $0xFFFFFFFF, v3  }
0x26: {  	v4 =	vsel vm3, $0xFFFFFFFF, v4;
	v62 =	vshll.u32 v3, $0x8  }
0x27: {  	v3 =	vshll.u32 v3, $0x7;
	v61 =	vand.u32 $0x7F, v4;
	v4 =	vshll.u32 v4, $0x3  }
0x28: {  	v6 =	vand.u32 $0xFFFFF800, v62;
	v3 =	vand.u32 $0x380, v3;
	v4 =	vand.u32 $0xFFFFFC00, v4  }
0x29: {  	v3 =	vor.u32 v61, v3;
	v4 =	vadd.s32 v6, v4  }
0x2a: {  	v3 =	vor.u32 v4, v3  }
0x2b: {  	(xrf1) =	vunique.msk.u32 $0xffff, v3;
	_ =	sdelay $0xd  }
0x2c: {  	v63, _, _ =	vpop (xrf1)  }
0x2d: {  	vm4 =	vne.s32 v3, $0xFFFFFFFF;
	vm3 =	veq.s32 v63, v2  }
0x2e: {  	vm5 =	vlt.u32 v4, $0x10000;
	vm3 =	vmand vm4, vm3  }
0x2f: {  	vm3 =	vmand vm5, vm3  }
0x30: {  	v3 =	vnsel vm3, $0xFFFFFFFF, v3;
	_ =	sdelay $0x3  }
0x31: {  	s23 =	sshrl.u32 s23, $0x3;
	(ifvalue) =	ssetifvalue $0xFFFFFFFF  }
0x32: {  	[tilespmem:s15], [sflag:$0x8] =	stream.indirect_vreg.gather [hbm4b:s1+s13], $0x1, v3, vm0, $0x4038;
	v3 =	vnsel vm5, $0xFFFFFFFE, v3;
	[tilespmem:$0x1B0] =	vst v63  }
0x33: {  	s23 =	sadd.s32 s4, s23;
	[tilespmem:$0x100] =	vst v3  }
0x34: {  	[tilespmem:s16], [sflag:$0x8] =	stream.linear.gather [hbm:s23], $0x10, $0x38;
	[tilespmem:$0x1B0] =	vst v63  }
.LBB2_8:
0x35: {  	s23 =	sadd.s32 $0x10, s22  }
0x36: {  	s24 =	smov.u32 s6;
	s19 =	sadd.s32 $0x40, s19;
	p0 =	slt.s32 s23, s9  }
0x37: {  	s24 =	smov.u32 @p0 s23;
	p0 =	sne.s32 s19, $0x100  }
.Ltmp1:
0x38: {  	_ = 	snop;
	(pc) =	sbr.rel @!p0 .LBB2_9-.Ltmp1, $3  }
0x39: {  	_ =	sdelay $0x1  }
0x3a: {  	s21 =	sadd.s32 $0x1, s21  }
0x3b: {  	s20 =	sadd.s32 $0x10, s20;
	s23 =	smov.u32 s22;
	s22 =	smov.u32 s24  }
.LBB2_1:
0x3c: {  	p0 =	seq.s32 s21, $0x1  }
.Ltmp2:
0x3d: {  	_ = 	snop;
	(pc) =	sbr.rel @p0 .LBB2_7-.Ltmp2, $1  }
0x3e: {  	_ =	sdelay $0x3  }
0x3f: {  	p0 =	sne.s32 s21, $0x0  }
.Ltmp3:
0x40: {  	_ = 	snop;
	(pc) =	sbr.rel @p0 .LBB2_4-.Ltmp3, $1  }
0x41: {  	_ =	sdelay $0x3  }
.Ltmp4:
0x42: {  	(pc) =	sbr.rel .LBB2_8-.Ltmp4, $4  }
0x43: {  	_ = 	snop  }
0x44: {  	s23 =	sshrl.u32 s22, $0x3  }
0x45: {  	s24 =	sand.u32 $0x7, s22;
	s23 =	sadd.s32 s3, s23  }
0x46: {  	[tilespmem:s14], [sflag:$0x7] =	stream.linear.gather [hbm4b:s23+s24], $0x10, $0x38;
	[tilespmem:$0x1B0] =	vst v63  }
.LBB2_4:
0x47: {  	p0 =	seq.s32 s19, $0xC0  }
.Ltmp5:
0x48: {  	_ = 	snop;
	(pc) =	sbr.rel @p0 .LBB2_6-.Ltmp5, $1  }
0x49: {  	_ =	sdelay $0x3  }
0x4a: {  	p0 =	sne.s32 s19, $0x80;
	_ =	swait.ge [sflag:s7], $0x20  }
0x4b: {  	[sflag:s7] =	ssyncset.done $0x0;
	s23 =	sshra.s32 @!p0 s19, $0x2  }
0x4c: {  	s24 =	simm.s32 @!p0 $0x1;
	[sflag:s7] =	ssyncadd.s32 $0xFFFFFFE0;
	s23 =	sadd.s32 @!p0 $0xEF, s23  }
0x4d: {  	[spmem:s10] =	stream.linear.scatter @!p0 [tilespmem:s23], [sflag:$0x1], $0x1, $0x38;
	[tilespmem:$0x1B0] =	vst v63  }
0x4e: {  	_ =	swait.ge @!p0 [sflag:s24], $0x1  }
0x4f: {  	[sflag:s24] =	ssyncset.done @!p0 $0x0  }
0x50: {  	s23 =	sand.u32 $0x10, s20;
	[sflag:s24] =	ssyncadd.s32 @!p0 $0xFFFFFFFF  }
0x51: {  	s26 =	sxor.u32 $0x10, s23;
	v3 =	vld [tilespmem:s23+$0x10]  }
0x52: {  	v4 =	vld [tilespmem:s26+$0x60]  }
0x53: {  	v5 =	vld [tilespmem:$0x80];
	_ =	sdelay $0x2  }
0x54: {  	(v2sf) =	vpush v3, $0x0  }
0x55: {  	(v2sf) =	vpush v4, $0x0  }
0x56: {  	(v2sf) =	vpush v5, $0x0;
	_ =	sdelay $0xc  }
0x57: {  	s28 =	spop (v2sf)  }
0x58: {  	s29 =	spop (v2sf)  }
0x59: {  	s25 =	spop (v2sf)  }
0x5a: {  	p1 =	seq.s32 s28, s29;
	p2 =	seq.s32 s25, s28  }
0x5b: {  	p2 =	por p1, p2  }
0x5c: {  	v3 =	vpsel p2, $0xFFFFFFFF, v3  }
0x5d: {  	v56 =	vld [tilespmem:s23+$0x150];
	[tilespmem:s23+$0x10] =	vst.msk $0x1, v3  }
0x5e: {  	v3 =	vld [tilespmem:$0x30]  }
0x5f: {  	v6 =	vld [tilespmem:s23+$0x40];
	_ =	sdelay $0x3  }
0x60: {  	vm3 =	vmmov vm1;
	v4 =	vadd.f32 v56, v3  }
0x61: {  	vm4 =	vmmov vm2;
	vm3 =	vmmov @p1 vm2;
	v3 =	vadd.f32 v6, v3  }
0x62: {  	vm4 =	vmmov @p2 vm1;
	[tilespmem:s23+$0x150] =	vst.msk vm3, v4  }
0x63: {  	[tilespmem:s23+$0x190] =	vst.msk vm4, v3  }
0x64: {  	v3 =	vld [tilespmem:s23+$0x130];
	_ =	sdelay $0x4  }
0x65: {  	v3 =	vshift.insert v3, v0, s17  }
0x66: {  	s29 =	sor.u32 $0x40, s26  }
0x67: {  	[tilespmem:s29+$0x0] =	vst.msk $0x1, v3  }
0x68: {  	s30 =	sshra.s32 s19, $0x2;
	[tilespmem:s23+$0x13F] =	vst.msk $0x1, v0  }
0x69: {  	v3 =	vld [tilespmem:s30+$0xE0];
	_ =	sdelay $0x4  }
0x6a: {  	v3 =	vshift.insert v3, v1, s17;
	_ =	sdelay $0x1  }
0x6b: {  	[tilespmem:s26+$0x10] =	vst.msk $0x1, v3  }
0x6c: {  	v4 =	vld [tilespmem:s23+$0x150]  }
0x6d: {  	v57 =	vld [tilespmem:s30+$0xE0];
	_ =	sdelay $0x3  }
0x6e: {  	v4 =	vadd.f32 $0.0e+00, v4  }
0x6f: {  	vm3 =	vne.s32 v57, $0xFFFFFFFF  }
0x70: {  	(xrf2) =	vadd.seg.scan.f32 vm3, v4;
	_ =	sdelay $0x3  }
0x71: {  	v58 =	vperm.xlane v3, v1  }
0x72: {  	v7 =	vld [tilespmem:s23+$0x130]  }
0x73: {  	vm14 =	veq.s32 v57, v58;
	vm3 =	veq.s32 v57, v5  }
0x74: {  	vm5 =	vgt.u32 v57, $0xFFFFFFFD;
	vm4 =	vmor vm14, vm3  }
0x75: {  	vm4 =	vmor vm4, vm5  }
0x76: {  	v59 =	vsel vm4, $0xFFFFFFFF, v57  }
0x77: {  	v61 =	vsel vm3, $0x0, v7;
	v60, _, _ =	vpop (xrf2)  }
0x78: {  	v6 =	vadd.f32 v60, v61  }
0x79: {  	v62 =	vld [tilespmem:$0xA0]  }
0x7a: {  	s31 =	sadd.s32 $0x170, s23;
	v8 =	vld [tilespmem:$0x90];
	[tilespmem:s23+$0x170] =	vst v6;
	(ifvalue) =	ssetifvalue $0xFFFFFFFF  }
0x7b: {  	[hbm4b:s1+s13] =	stream.indirect_vreg.scatter [tilespmem:s31], [sflag:$0x2], $0x1, v59, vm0, $0x4038;
	[tilespmem:$0x1B0] =	vst v63  }
0x7c: {  	v4 =	vld [tilespmem:s23+$0x170];
	_ =	sdelay $0x4  }
0x7d: {  	v4 =	vshift.insert v4, v0, s17  }
0x7e: {  	vm15 =	veq.s32 v62, $0x1  }
0x7f: {  	vm4 =	vmor vm15, vm3;
	v5 =	vsel vm3, v60, v8;
	[tilespmem:s18+$0x0] =	vst.msk $0x1, v4  }
0x80: {  	v63 =	vsel vm4, $0x1, v1;
	[tilespmem:$0x90] =	vst v5  }
0x81: {  	s26 =	sadd.s32 @!p0 $0x17F, s23;
	[tilespmem:$0xA0] =	vst v63  }
0x82: {  	[spmem:s11] =	stream.linear.scatter @!p0 [tilespmem:s26], [sflag:$0x1], $0x1, $0x38;
	[tilespmem:$0x1B0] =	vst v63  }
0x83: {  	v4 =	vmctz.xlane @!p0 vm4;
	_ =	swait.ge @!p0 [sflag:s24], $0x1  }
0x84: {  	(v2sf) =	vpush @!p0 v3, $0x0  }
0x85: {  	(v2sf) =	vpush @!p0 v4, $0x0;
	_ =	sdelay $0xd  }
0x86: {  	s26 =	spop @!p0 (v2sf)  }
0x87: {  	s28 =	spop @!p0 (v2sf)  }
0x88: {  	p1 =	sne.s32 @!p0 s25, s26;
	p2 =	slt.s32 @!p0 s28, $0xF  }
0x89: {  	[sflag:s24] =	ssyncset.done @!p0 $0x0;
	p1 =	por p1, p0;
	p2 =	por !p2, p0  }
0x8a: {  	[sflag:s24] =	ssyncadd.s32 @!p0 $0xFFFFFFFF;
	v3 =	vimm.s32 @!p1 $0xFFFFFFFF;
	s28 =	simm.s32 @p2 $0xF  }
0x8b: {  	[tilespmem:$0x80] =	vst @!p1 v3;
	s25 =	sadd.s32 @!p0 $0x90, s28  }
0x8c: {  	[spmem:s8] =	stream.linear.scatter @!p0 [tilespmem:s25], [sflag:$0x1], $0x1, $0x38;
	[tilespmem:$0x1B0] =	vst v63  }
0x8d: {  	_ =	swait.ge @!p0 [sflag:s24], $0x1  }
0x8e: {  	[sflag:s24] =	ssyncset.done @!p0 $0x0  }
0x8f: {  	s25 =	simm.s32 @!p0 $0x80;
	[sflag:s24] =	ssyncadd.s32 @!p0 $0xFFFFFFFF  }
0x90: {  	[spmem:s12] =	stream.linear.scatter @!p0 [tilespmem:s25], [sflag:$0x1], $0x1, $0x38;
	[tilespmem:$0x1B0] =	vst v63  }
0x91: {  	_ =	swait.ge @!p0 [sflag:s24], $0x1  }
0x92: {  	[sflag:s24] =	ssyncset.done @!p0 $0x0  }
0x93: {  	[sflag:s24] =	ssyncadd.s32 @!p0 $0xFFFFFFFF;
	(ifvalue) =	ssetifvalue $0xFFFFFFFF;
	v3 =	vld [tilespmem:s23+$0x10];
	_ =	sdelay $0x3  }
.Ltmp6:
0x94: {  	_ = 	snop;
	(pc) =	sbr.rel .LBB2_8-.Ltmp6, $3  }
0x95: {  	_ =	sdelay $0x1  }
0x96: {  	s23 =	sadd.s32 $0x190, s23;
	(ifvalue) =	ssetifvalue $0xFFFFFFFF  }
0x97: {  	[hbm4b:s1+s13] =	stream.indirect_vreg.scatter [tilespmem:s23], [sflag:$0x9], $0x1, v3, vm0, $0x4038;
	[tilespmem:$0x1B0] =	vst v63  }
.LBB2_6:
0x98: {  	s3 =	simm.s32 $0x2  }
0x99: {  	_ =	swait.ge [sflag:s3], $0x10  }
0x9a: {  	[sflag:s3] =	ssyncset.done $0x0  }
0x9b: {  	s31 =	simm.s32 $0x9;
	[sflag:s3] =	ssyncadd.s32 $0xFFFFFFF0  }
0x9c: {  	_ =	swait.ge [sflag:s31], $0x10  }
0x9d: {  	[sflag:s31] =	ssyncset.done $0x0  }
0x9e: {  	[sflag:s31] =	ssyncadd.s32 $0xFFFFFFF0  }
.LBB2_9:
0x9f: {  	_ =	sfence.sel $0x180000  }
0xa0: {  	s3 =	simm.s32 $0x7;
	[bflag:$0x0] =	sbarrier.arrive $0xFFFF  }
0xa1: {  	s26 =	simm.s32 $0x8;
	[sflag:s3] =	ssyncpa.u1 $0x1  }
0xa2: {  	s28 =	simm.s32 $0x9;
	[sflag:s26] =	ssyncpa.u1 $0x1  }
0xa3: {  	[sflag:s28] =	ssyncpa.u1 $0x1  }
0xa4: {  	_ =	sfence.stream.spmem  }
0xa5: {  	s29 =	simm.s32 $0x3;
	[bflag:$0x0] =	sbarrier.arrive $0xFFFF  }
0xa6: {  	s30 =	simm.s32 $0x4;
	[sflag:s29] =	ssyncpa.u1 $0x1  }
0xa7: {  	s31 =	simm.s32 $0x3C;
	[sflag:s30] =	ssyncpa.u1 $0x1  }
0xa8: {  	p0 =	sne.s32 s2, $0x0;
	[sflag:s31] =	ssyncpa.u1 $0x1  }
0xa9: {  	s0 =	simm.s32 @p0 $0x1;
	_ =	sfence @p0  }
0xaa: {  	[sflag:s0] =	ssyncpa.u1 @p0 $0x1;
	s0 =	simm.s32 @p0 $0x2  }
0xab: {  	[sflag:s0] =	ssyncpa.u1 @p0 $0x1  }
0xac: {  	_ =	strace @p0 $0x9000004A  }
0xad: {  	[bflag:$0x2] =	sbarrier.arrive @p0 $0xFFFF  }
0xae: {  	_ =	shalt @p0  }
.LBB2_10:
0xaf: {  	_ =	sfence.stream.spmem;
	s4 =	simm.s32 $0x5  }
0xb0: {  	s2 =	simm.s32 $0x80;
	s3 =	simm.s32 $0xC0;
	[sflag:s4] =	ssyncpa.u1 $0x0  }
0xb1: {  	[tilespmem:s3], [sflag:$0x5] =	stream.linear.gather [spmem:s2], $0x20, $0x38;
	[tilespmem:$0x1B0] =	vst v63  }
0xb2: {  	s2 =	simm.s32 $0x0;
	s3 =	simm.s32 $0xE0  }
0xb3: {  	[tilespmem:s3], [sflag:$0x5] =	stream.linear.gather [spmem:s2], $0x20, $0x38;
	[tilespmem:$0x1B0] =	vst v63  }
.Ltmp7:
0xb4: {  	_ = 	snop;
	(pc) =	sbr.rel .LBB2_11-.Ltmp7, $4  }
0xb5: {  	_ =	swait.ge [sflag:s4], $0x40  }
0xb6: {  	[sflag:s4] =	ssyncset.done $0x0  }
0xb7: {  	s31 =	simm.s32 $0x6;
	[sflag:s4] =	ssyncadd.s32 $0xFFFFFFC0  }
0xb8: {  	s4 =	simm.s32 $0x0;
	[sflag:s31] =	ssyncpa.u1 $0x0  }
.LBB2_16:
0xb9: {  	p0 =	sgt.u32 s5, $0xFFFF  }
0xba: {  	s6 =	sshrl.u32 @!p0 s5, $0x3  }
0xbb: {  	s5 =	sand.u32 @!p0 $0x7, s5;
	s7 =	simm.s32 @!p0 $0xB0;
	s6 =	sadd.s32 @!p0 s1, s6  }
0xbc: {  	[tilespmem:s7], [sflag:$0x6] =	stream.linear.gather @!p0 [hbm4b:s6+s5], $0x1, $0x38;
	[tilespmem:$0x1B0] =	vst v63  }
0xbd: {  	s5 =	simm.s32 @!p0 $0x6  }
0xbe: {  	_ =	swait.ge @!p0 [sflag:s5], $0x1  }
0xbf: {  	[sflag:s5] =	ssyncset.done @!p0 $0x0  }
0xc0: {  	[sflag:s5] =	ssyncadd.s32 @!p0 $0xFFFFFFFF  }
0xc1: {  	v2 =	vmov @!p0 s4;
	v1 =	vld.msk @!p0 [tilespmem:$0xB0], $0x1;
	_ =	sdelay $0x3  }
0xc2: {  	s5 =	simm.s32 @!p0 $0xE0  }
0xc3: {  	[tilespmem:v2+s5+$0x0], v1 =	vst.idx.ret.add.f32.msk @!p0 $0x1, v1  }
0xc4: {  	[tilespmem:s2+$0xC0] =	vst.msk $0x1, v0  }
0xc5: {  	v0 =	vld.msk [tilespmem:s4+$0xE0], $0x1;
	_ =	sdelay $0x4  }
0xc6: {  	[tilespmem:s2+$0xE0] =	vst.msk $0x1, v0;
	s2 =	sadd.s32 $0x1, s2  }
.LBB2_18:
0xc7: {  	s4 =	sadd.s32 $0x1, s4  }
0xc8: {  	p0 =	sne.s32 s4, $0x20  }
.Ltmp8:
0xc9: {  	_ = 	snop;
	(pc) =	sbr.rel @!p0 .LBB2_19-.Ltmp8, $1  }
0xca: {  	_ =	sdelay $0x3  }
.LBB2_11:
0xcb: {  	v0 =	vld.msk [tilespmem:s4+$0xC0], $0x1;
	_ =	sdelay $0x4  }
0xcc: {  	(v2sf) =	vpush v0, $0x0;
	_ =	sdelay $0xe  }
0xcd: {  	s5 =	spop (v2sf)  }
0xce: {  	p0 =	seq.s32 s5, $0xFFFFFFFF  }
.Ltmp9:
0xcf: {  	_ = 	snop;
	(pc) =	sbr.rel @p0 .LBB2_18-.Ltmp9, $1  }
0xd0: {  	_ =	sdelay $0x3  }
0xd1: {  	p0 =	slt.s32 s2, $0x1  }
.Ltmp10:
0xd2: {  	_ = 	snop;
	(pc) =	sbr.rel @p0 .LBB2_16-.Ltmp10, $1  }
0xd3: {  	_ =	sdelay $0x3  }
0xd4: {  	s6 =	simm.s32 $0xC0;
	p0 =	por $0x0, $0x0  }
0xd5: {  	v1 =	vld.msk @!p0 [tilespmem:s6+$0x0], $0x1;
	_ =	sdelay $0x4  }
0xd6: {  	(v2sf) =	vpush @!p0 v1, $0x0;
	_ =	sdelay $0xd  }
0xd7: {  	p2 =	sne.s32 s2, $0x1  }
.Ltmp11:
0xd8: {  	s7 =	spop @!p0 (v2sf);
	(pc) =	sbr.rel @!p2 .LBB2_15-.Ltmp11, $4  }
0xd9: {  	p1 =	seq.s32 @!p0 s5, s7  }
0xda: {  	s7 =	simm.s32 $0x0;
	p1 =	por !p1, p0  }
0xdb: {  	s9 =	simm.s32 $0xFFFFFFFF;
	s7 =	simm.s32 @p1 $0xFFFFFFFF  }
0xdc: {  	s8 =	simm.s32 $0x1;
	s7 =	smov.u32 @p0 s9  }
.LBB2_14:
0xdd: {  	s9 =	smov.u32 s7;
	p0 =	sne.s32 s7, $0xFFFFFFFF  }
0xde: {  	s6 =	sadd.s32 $0x1, s6;
	s7 =	smov.u32 s8;
	s8 =	sadd.s32 $0x1, s8  }
0xdf: {  	p1 =	sne.s32 s2, s8;
	v1 =	vld.msk @!p0 [tilespmem:s6+$0x0], $0x1;
	_ =	sdelay $0x4  }
0xe0: {  	(v2sf) =	vpush @!p0 v1, $0x0;
	_ =	sdelay $0xe  }
.Ltmp12:
0xe1: {  	s10 =	spop @!p0 (v2sf);
	(pc) =	sbr.rel @p1 .LBB2_14-.Ltmp12, $4  }
0xe2: {  	p2 =	seq.s32 @!p0 s5, s10  }
0xe3: {  	p2 =	por !p2, p0  }
0xe4: {  	s7 =	simm.s32 @p2 $0xFFFFFFFF  }
0xe5: {  	s7 =	smov.u32 @p0 s9  }
.LBB2_15:
0xe6: {  	p0 =	sne.s32 s7, $0xFFFFFFFF  }
.Ltmp13:
0xe7: {  	_ = 	snop;
	(pc) =	sbr.rel @!p0 .LBB2_16-.Ltmp13, $1  }
0xe8: {  	_ =	sdelay $0x3  }
0xe9: {  	v0 =	vld.msk [tilespmem:s4+$0xE0], $0x1;
	v1 =	vmov s7  }
.Ltmp14:
0xea: {  	_ = 	snop;
	(pc) =	sbr.rel .LBB2_18-.Ltmp14, $2  }
0xeb: {  	_ =	sdelay $0x2  }
0xec: {  	[tilespmem:v1+s3+$0x0], v0 =	vst.idx.ret.add.f32.msk $0x1, v0  }
.LBB2_19:
0xed: {  	p0 =	slt.s32 s2, $0x1  }
.Ltmp15:
0xee: {  	_ = 	snop;
	(pc) =	sbr.rel @p0 .LBB2_23-.Ltmp15, $3  }
0xef: {  	_ =	sdelay $0x1  }
0xf0: {  	s3 =	simm.s32 $0x6  }
0xf1: {  	[sflag:s3] =	ssyncpa.u1 $0x1;
	s3 =	simm.s32 $0x0  }
0xf2: {  	s4 =	simm.s32 $0xC0  }
0xf3: {  	v0 =	vld.msk [tilespmem:s4+$0x0], $0x1;
	_ =	sdelay $0x4  }
0xf4: {  	(v2sf) =	vpush v0, $0x0;
	_ =	sdelay $0xe  }
0xf5: {  	s2 =	sadd.s32 $0xFFFFFFFF, s2;
	s5 =	spop (v2sf)  }
0xf6: {  	p1 =	sne.s32 s2, $0x0;
	p0 =	sgt.u32 s5, $0xFFFF  }
.Ltmp16:
0xf7: {  	s6 =	sshrl.u32 @!p0 s5, $0x3;
	(pc) =	sbr.rel @!p1 .LBB2_22-.Ltmp16, $4  }
0xf8: {  	s4 =	simm.s32 $0xE0;
	s5 =	sand.u32 @!p0 $0x7, s5;
	s6 =	sadd.s32 @!p0 s1, s6  }
0xf9: {  	[hbm4b:s6+s5] =	stream.linear.scatter @!p0 [tilespmem:s4], [sflag:$0x5], $0x1, $0x38;
	[tilespmem:$0x1B0] =	vst v63  }
0xfa: {  	s6 =	simm.s32 $0x0  }
0xfb: {  	s5 =	simm.s32 $0xC1;
	s6 =	simm.s32 @!p0 $0x4  }
.LBB2_21:
0xfc: {  	v0 =	vld.msk [tilespmem:s5+$0x0], $0x1;
	s2 =	sadd.s32 $0xFFFFFFFF, s2;
	s3 =	sadd.s32 s3, s6  }
0xfd: {  	p0 =	sne.s32 s2, $0x0;
	_ =	sdelay $0x3  }
0xfe: {  	(v2sf) =	vpush v0, $0x0;
	_ =	sdelay $0xe  }
.Ltmp17:
0xff: {  	s7 =	spop (v2sf);
	(pc) =	sbr.rel @p0 .LBB2_21-.Ltmp17, $4  }
0x100: {  	s6 =	simm.s32 $0x0;
	p1 =	sgt.u32 s7, $0xFFFF  }
0x101: {  	s4 =	sadd.s32 $0x1, s4;
	s6 =	simm.s32 @!p1 $0x4;
	s8 =	sshrl.u32 @!p1 s7, $0x3  }
0x102: {  	s5 =	sadd.s32 $0x1, s5;
	s7 =	sand.u32 @!p1 $0x7, s7;
	s8 =	sadd.s32 @!p1 s1, s8  }
0x103: {  	[hbm4b:s8+s7] =	stream.linear.scatter @!p1 [tilespmem:s4], [sflag:$0x5], $0x1, $0x38;
	[tilespmem:$0x1B0] =	vst v63  }
.LBB2_22:
0x104: {  	s1 =	sadd.s32 s3, s6  }
0x105: {  	s3 =	sshrl.u32 s1, $0x2  }
.LBB2_23:
0x106: {  	s1 =	simm.s32 $0x5  }
0x107: {  	_ =	swait.ge [sflag:s1], s3  }
0x108: {  	s2 =	ssub.s32 $0x0, s3;
	[sflag:s1] =	ssyncset.done $0x0  }
0x109: {  	[sflag:s1] =	ssyncadd.s32 s2  }
0x10a: {  	[sflag:s1] =	ssyncpa.u1 $0x1  }
0x10b: {  	s30 =	simm.s32 $0x1;
	_ =	sfence  }
0x10c: {  	s31 =	simm.s32 $0x2;
	[sflag:s30] =	ssyncpa.u1 $0x1  }
0x10d: {  	[sflag:s31] =	ssyncpa.u1 $0x1  }
0x10e: {  	_ =	strace $0x9000004A  }
0x10f: {  	s0 =	sadd.s32 $0x100000, s0;
	[bflag:$0x2] =	sbarrier.arrive $0xFFFF  }
0x110: {  	[sflag:s0] =	ssyncadd.tile.s32 $0x1;
	_ =	shalt  }
.Lfunc_end2:
_tile_overlayer_lowered:
.L_overlay_start_2:
0x111: {  	(tag) =	ssettag $0x2  }
0x112: {  	s0 =	rddreg [dreg:$0x0];
	s2 =	stileid.u32  }
0x113: {  	s1 =	rddreg [dreg:$0x1];
	p0 =	sne.s32 s2, $0x0  }
0x114: {  	s3 =	rddreg [dreg:$0x2];
	[bflag:$0x3] =	sbarrier.arrive $0xFFFF;
	s2 =	simm.s32 @!p0 $0x1C01  }
0x115: {  	[timem:s3], [sflag:s2] =	dma.local @!p0 [hbm:s0], s1  }
0x116: {  	s0 =	simm.s32 @!p0 $0x1  }
0x117: {  	_ =	swait.ge @!p0 [sflag:s0], s1  }
0x118: {  	s1 =	ssub.s32 @!p0 $0x0, s1;
	[sflag:s0] =	ssyncset.done @!p0 $0x0  }
0x119: {  	[sflag:s0] =	ssyncadd.s32 @!p0 s1  }
0x11a: {  	[bflag:$0x3] =	sbarrier.arrive $0xFFFF  }
0x11b: {  	_ =	shalt  }

// kernel: scatter_offload_async_start.2
scs
__scs_entry_jumppad:
0x0: {  	(pc) =	sbr.rel $0x88, $3  }
0x1: {  	(tag) =	ssettag $0x0;
	lr =	simm.s32 $0x1  }
0x2: {  	[smem:$0x3F8E] =	sst lr;
	_ =	strace $0xD0000000  }
0x3: {  	_ = 	snop  }
0x4: {  	_ = 	snop  }
0x5: {  	_ = 	snop  }
0x6: {  	_ = 	snop  }
0x7: {  	_ = 	snop  }
__scs_overlays_trampoline_lowered:
0x8: {  	[smem:$0x3F9D] =	sst s0  }
0x9: {  	[smem:$0x3F9E] =	sst s1  }
0xa: {  	[smem:$0x3F9F] =	sst s2  }
0xb: {  	[smem:$0x3FA0] =	sst s3  }
0xc: {  	[smem:$0x3FA1] =	sst s4  }
0xd: {  	[smem:$0x3FA2] =	sst s5  }
0xe: {  	[smem:$0x3FA3] =	sst s6  }
0xf: {  	[smem:$0x3FA4] =	sst s7  }
0x10: {  	[smem:$0x3FA5] =	sst s8  }
0x11: {  	[smem:$0x3FA6] =	sst s9;
	s0 =	simm.s32 @!p0 $0x0  }
0x12: {  	s1 =	sld [smem:$0x3F8C];
	s0 =	simm.s32 @p0 $0x1  }
0x13: {  	[smem:$0x3FA7] =	sst s0;
	s0 =	simm.s32 @!p1 $0x0  }
0x14: {  	s2 =	sld [smem:$0x3F8B];
	s0 =	simm.s32 @p1 $0x1  }
0x15: {  	[smem:$0x3FA8] =	sst s0;
	s0 =	simm.s32 @!p2 $0x0  }
0x16: {  	s3 =	sld [smem:$0x3FDB];
	s0 =	simm.s32 @p2 $0x1  }
0x17: {  	s4 =	simm.s32 $0x1BF5;
	[smem:$0x3FAA] =	sst s0  }
0x18: {  	s0 =	sld [smem:$0x3F8D];
	_ =	swait.ge [sflag:s4], $0x0  }
0x19: {  	s7 =	sld [smem:$0x3F8E]  }
0x1a: {  	s8 =	sadd.s32 $0xFFFFE003, lr  }
0x1b: {  	s9 =	sadd.s32 $0xFFFFFEF7, lr;
	s5 =	simm.s32 $0xFFFFFFFF;
	p2 =	slt.u32 s8, $0xFFFFF086  }
0x1c: {  	p1 =	slt.u32 s9, $0xF7A;
	s5 =	simm.s32 @!p2 $0x0  }
0x1d: {  	s5 =	simm.s32 @p1 $0x1;
	p0 =	seq.s32 s7, s2  }
0x1e: {  	s7 =	smul.u32 @!p0 $0xF7A, s2;
	p2 =	seq.s32 @!p0 s5, $0x0  }
0x1f: {  	s9 =	smul.u32 $0xF7A, s1;
	s8 =	simm.s32 @!p0 $0x1BF5;
	p2 =	por !p2, p0  }
0x20: {  	[sflag:s8] =	ssyncset.s32 @!p0 $0xFFFFF086;
	s6 =	sadd.s32 @!p0 s3, s7;
	s7 =	simm.s32 @!p0 $0x108  }
0x21: {  	s3 =	sadd.s32 s3, s9;
	s6 =	sadd.s32 @!p0 $0x88, s6;
	s7 =	simm.s32 @p2 $0x1082  }
0x22: {  	[simem:s7], [sflag:s8] =	dma.local @!p0 [hbm:s6], $0xF7A  }
0x23: {  	s9 =	sor.u32 $0xD0000000, s2;
	s6 =	simm.s32 $0x108;
	_ =	swait.ge @!p0 [sflag:s8], $0x0  }
0x24: {  	s3 =	sadd.s32 $0x88, s3;
	s6 =	simm.s32 @!p1 $0x1082;
	[sflag:s4] =	ssyncset.s32 $0xFFFFF086  }
0x25: {  	[simem:s6], [sflag:s4] =	dma.local [hbm:s3], $0xF7A  }
0x26: {  	[smem:$0x3F8E] =	sst s1;
	(tag) =	ssettag s2;
	_ =	strace s9  }
0x27: {  	s1 =	sld [smem:$0x3F9E]  }
0x28: {  	s2 =	sld [smem:$0x3F9F]  }
0x29: {  	s4 =	sld [smem:$0x3FA1]  }
0x2a: {  	p0 =	seq.s32 s5, $0x0;
	s5 =	sld [smem:$0x3FA2]  }
0x2b: {  	s6 =	sld [smem:$0x3FA3]  }
0x2c: {  	s7 =	sld [smem:$0x3FA4]  }
0x2d: {  	s3 =	simm.s32 $0x108;
	s8 =	sld [smem:$0x3FA5]  }
0x2e: {  	s3 =	simm.s32 @!p0 $0x1082;
	s9 =	sld [smem:$0x3FA6]  }
0x2f: {  	lr =	sadd.s32 s0, s3;
	s0 =	sld [smem:$0x3F9D]  }
0x30: {  	s3 =	sld [smem:$0x3FA0]  }
0x31: {  	[smem:$0x3FA9] =	sst s10  }
0x32: {  	s10 =	sld [smem:$0x3FA7];
	_ =	sdelay $0x3  }
0x33: {  	p0 =	seq.s32 s10, $0x1;
	s10 =	sld [smem:$0x3FA9];
	_ =	sdelay $0x3  }
0x34: {  	[smem:$0x3FA9] =	sst s10  }
0x35: {  	s10 =	sld [smem:$0x3FA8];
	_ =	sdelay $0x3  }
0x36: {  	p1 =	seq.s32 s10, $0x1;
	s10 =	sld [smem:$0x3FA9];
	_ =	sdelay $0x3  }
0x37: {  	[smem:$0x3FA9] =	sst s10  }
0x38: {  	s10 =	sld [smem:$0x3FAA]  }
0x39: {  	_ = 	snop;
	(pc) =	sbr.ind lr, $3  }
0x3a: {  	_ = 	snop  }
0x3b: {  	_ = 	snop  }
0x3c: {  	p2 =	seq.s32 s10, $0x1;
	s10 =	sld [smem:$0x3FA9]  }
0x3d: {  	_ =	shalt  }
0x3e: {  	_ =	shalt  }
0x3f: {  	_ =	shalt  }
0x40: {  	_ =	shalt  }
0x41: {  	_ =	shalt  }
0x42: {  	_ =	shalt  }
0x43: {  	_ =	shalt  }
0x44: {  	_ =	shalt  }
0x45: {  	_ =	shalt  }
0x46: {  	_ =	shalt  }
0x47: {  	_ =	shalt  }
0x48: {  	_ =	shalt  }
0x49: {  	_ =	shalt  }
0x4a: {  	_ =	shalt  }
0x4b: {  	_ =	shalt  }
0x4c: {  	_ =	shalt  }
0x4d: {  	_ =	shalt  }
0x4e: {  	_ =	shalt  }
0x4f: {  	_ =	shalt  }
0x50: {  	_ =	shalt  }
0x51: {  	_ =	shalt  }
0x52: {  	_ =	shalt  }
0x53: {  	_ =	shalt  }
0x54: {  	_ =	shalt  }
0x55: {  	_ =	shalt  }
0x56: {  	_ =	shalt  }
0x57: {  	_ =	shalt  }
0x58: {  	_ =	shalt  }
0x59: {  	_ =	shalt  }
0x5a: {  	_ =	shalt  }
0x5b: {  	_ =	shalt  }
0x5c: {  	_ =	shalt  }
0x5d: {  	_ =	shalt  }
0x5e: {  	_ =	shalt  }
0x5f: {  	_ =	shalt  }
0x60: {  	_ =	shalt  }
0x61: {  	_ =	shalt  }
0x62: {  	_ =	shalt  }
0x63: {  	_ =	shalt  }
0x64: {  	_ =	shalt  }
0x65: {  	_ =	shalt  }
0x66: {  	_ =	shalt  }
0x67: {  	_ =	shalt  }
0x68: {  	_ =	shalt  }
0x69: {  	_ =	shalt  }
0x6a: {  	_ =	shalt  }
0x6b: {  	_ =	shalt  }
0x6c: {  	_ =	shalt  }
0x6d: {  	_ =	shalt  }
0x6e: {  	_ =	shalt  }
0x6f: {  	_ =	shalt  }
0x70: {  	_ =	shalt  }
0x71: {  	_ =	shalt  }
0x72: {  	_ =	shalt  }
0x73: {  	_ =	shalt  }
0x74: {  	_ =	shalt  }
0x75: {  	_ =	shalt  }
0x76: {  	_ =	shalt  }
0x77: {  	_ =	shalt  }
0x78: {  	_ =	shalt  }
0x79: {  	_ =	shalt  }
0x7a: {  	_ =	shalt  }
0x7b: {  	_ =	shalt  }
0x7c: {  	_ =	shalt  }
0x7d: {  	_ =	shalt  }
0x7e: {  	_ =	shalt  }
0x7f: {  	_ =	shalt  }
0x80: {  	_ =	shalt  }
0x81: {  	_ =	shalt  }
0x82: {  	_ =	shalt  }
0x83: {  	_ =	shalt  }
0x84: {  	_ =	shalt  }
0x85: {  	_ =	shalt  }
0x86: {  	_ =	shalt  }
0x87: {  	_ =	shalt  }
.Lfunc_end0:
.L_simem_size_0:
called_computation.2_lowered:
.L_overlay_start_0:
0x88: {  	s0 =	sld [smem:$0x3FD9]  }
0x89: {  	s1 =	sld [smem:$0x3FFE];
	_ =	sdelay $0x3  }
0x8a: {  	s0 =	sadd.s32 s1, s0  }
0x8b: {  	[smem:$0x3FB5] =	sst s0  }
0x8c: {  	_ = 	snop  }
0x8d: {  	s0 =	sld [smem:$0x3FD0];
	_ =	sdelay $0x2  }
0x8e: {  	s13 =	simm.s32 $0xA;
	s2 =	simm.s32 $0x10  }
0x8f: {  	[smem:s2], [sflag:s13] =	dma.local [hbm:s0], $0x1  }
0x90: {  	_ =	swait.eq [sflag:s13], $0x1  }
0x91: {  	[sflag:s13] =	ssyncset.done $0x0  }
0x92: {  	[sflag:s13] =	ssyncadd.s32 $0xFFFFFFFF  }
0x93: {  	s14 =	sld [smem:$0x11];
	(tm) =	ssettm $0x1  }
0x94: {  	s15 =	sld [smem:$0x3FFB];
	_ =	sdelay $0x3  }
0x95: {  	_ =	strace s15  }
0x96: {  	s1 =	sld [smem:$0x3FFC];
	_ =	sdelay $0x3  }
0x97: {  	_ =	strace s1  }
0x98: {  	s1 =	sld [smem:$0x3FFD];
	_ =	sdelay $0x3  }
0x99: {  	_ =	strace s1  }
0x9a: {  	_ =	strace $0x8FFFFFFF  }
0x9b: {  	s16 =	sld [smem:$0x3FDB];
	_ =	sdelay $0x1  }
0x9c: {  	s17 =	simm.s32 $_scs_section_size  }
0x9d: {  	s3 =	simm.s32 $_size__tile_overlayer_lowered;
	s4 =	simm.s32 $_tile_overlayer_lowered  }
0x9e: {  	s20 =	simm.s32 $0x1BFF;
	s19 =	sshll.u32 s4, $0x1;
	s1 =	sadd.s32 s17, s16  }
0x9f: {  	s5 =	simm.s32 $0x0;
	s18 =	sshll.u32 s3, $0x1;
	s3 =	sadd.s32 s19, s1  }
0xa0: {  	[timem:s5], [sflag:s20] =	dma.local [hbm:s3], s18  }
0xa1: {  	_ =	swait.ge [sflag:s20], s18  }
0xa2: {  	s2 =	ssub.s32 $0x0, s18;
	[sflag:s20] =	ssyncset.done $0x0  }
0xa3: {  	[sflag:s20] =	ssyncadd.s32 s2;
	_ =	sdelay $0x1  }
0xa4: {  	s21 =	simm.s32 $0x1B8B  }
0xa5: {  	_ =	swait.ge [sflag:s21], $0x1  }
0xa6: {  	[sflag:s21] =	ssyncset.done $0x0  }
0xa7: {  	s23 =	simm.s32 $0x1B8E;
	s22 =	sld [smem:$0x3FFE];
	[sflag:s21] =	ssyncadd.s32 $0xFFFFFFFF  }
0xa8: {  	s24 =	simm.s32 $execute0_lowered;
	[smem:$0x3FD2] =	sst s23  }
0xa9: {  	s3 =	sshll.u32 s24, $0x1;
	_ =	strace $0x8000004C;
	[dreg:$0x1] =	wrdreg $0xFFFFFFFF  }
0xaa: {  	s25 =	simm.s32 $_size_execute0_lowered;
	s1 =	sadd.s32 s1, s3;
	[dreg:$0x0] =	wrdreg $0x0  }
0xab: {  	s3 =	sshll.u32 s25, $0x1;
	[dreg:$0x2] =	wrdreg s1  }
0xac: {  	[dreg:$0x3] =	wrdreg s3  }
0xad: {  	[dreg:$0x4] =	wrdreg $0xC0  }
0xae: {  	_ =	task [dreg:s5], $0x5FFFF  }
0xaf: {  	[dreg:$0x1] =	wrdreg $0xFFFFFFFF  }
0xb0: {  	[dreg:$0x0] =	wrdreg $0x60  }
0xb1: {  	[dreg:$0x2] =	wrdreg s14  }
0xb2: {  	[dreg:$0x3] =	wrdreg s22  }
0xb3: {  	[dreg:$0x4] =	wrdreg $0x9  }
0xb4: {  	_ =	task.clear_ibuf [dreg:s5], $0x5FFFF;
	_ =	strace $0x9000004C  }
0xb5: {  	s26 =	simm.s32 $0x9;
	_ =	strace $0x8000004E  }
0xb6: {  	_ =	swait.ge [sflag:s26], $0x1  }
0xb7: {  	[sflag:s26] =	ssyncadd.s32 $0xFFFFFFFF  }
0xb8: {  	_ =	strace $0x9000004E  }
0xb9: {  	_ =	sfence  }
0xba: {  	s28 =	sld [smem:$0x0];
	_ =	sdelay $0x1  }
0xbb: {  	s29 =	srdreg.scid  }
0xbc: {  	s30 =	sshll.u32 s29, $0xD;
	s31 =	sshrl.u32 s29, $0x2  }
0xbd: {  	s2 =	sand.u32 $0x4000, s30;
	s1 =	sand.u32 $0x1, s29;
	s0 =	sadd.s32 s31, s28  }
0xbe: {  	s1 =	sor.u32 s2, s1;
	s0 =	sshll.u32 s0, $0x11  }
0xbf: {  	s0 =	sor.u32 s0, s1  }
0xc0: {  	s0 =	sadd.s32 $0x8F2B, s0  }
0xc1: {  	[sflag:s0] =	ssyncadd.remote.s32 $0x1  }
0xc2: {  	_ =	sfence.sel $0xFFFF  }
0xc3: {  	[dreg:$0x0] =	wrdreg $0xFFFFFFFF;
	(pc) =	sbr.abs _section_cstart, $3  }
0xc4: {  	[dreg:$0x1] =	wrdreg $0xFFFFFFFF  }
0xc5: {  	_ =	task.clear_ibuf [dreg:s5], $0x2FFFF;
	_ =	strace $0x9FFFFFFF  }
0xc6: {  	(tm) =	ssettm $0x7FFFFFFF  }
0xc7: {  	_ =	shalt  }
tec
execute0_lowered:
.L_overlay_start_1:
0x0: {  	(tag) =	ssettag $0x1  }
0x1: {  	s1 =	rddreg [dreg:$0x0]  }
0x2: {  	s2 =	rddreg [dreg:$0x1]  }
0x3: {  	s0 =	rddreg [dreg:$0x2];
	_ =	strace $0x8000004D;
	s3 =	simm.s32 $0x1  }
0x4: {  	v1 =	vimm.s32 $0xFFFFFFFF;
	[sflag:s3] =	ssyncpa.u1 $0x0  }
0x5: {  	[tilespmem:$0x10] =	vst v1  }
0x6: {  	v0 =	vimm.f32 $0.0e+00;
	[tilespmem:$0x20] =	vst v1  }
0x7: {  	[tilespmem:$0x30] =	vst v0  }
0x8: {  	[tilespmem:$0x40] =	vst v0  }
0x9: {  	s31 =	simm.s32 $0x2;
	s5 =	simm.s32 $0x7;
	[tilespmem:$0x50] =	vst v0  }
0xa: {  	s7 =	simm.s32 $0x8;
	s10 =	simm.s32 $0x9;
	s13 =	simm.s32 $0x0;
	[tilespmem:$0x60] =	vst v1  }
0xb: {  	s14 =	simm.s32 $0x100;
	s15 =	simm.s32 $0x130;
	s16 =	simm.s32 $0x150;
	[tilespmem:$0x70] =	vst v1  }
0xc: {  	s17 =	simm.s32 $0xF;
	s18 =	simm.s32 $0x30;
	s19 =	simm.s32 $0x0;
	[tilespmem:$0x80] =	vst v1  }
0xd: {  	s20 =	simm.s32 $0x0;
	s23 =	simm.s32 $0x0;
	s3 =	sadd.s32 $0x600, s2;
	v1 =	vimm.s32 $0x0;
	[tilespmem:$0xB0] =	vst v0  }
.Ltmp0:
0xe: {  	s4 =	sadd.s32 $0x800, s2;
	s2 =	stileid.u32;
	[tilespmem:$0x90] =	vst v1;
	(pc) =	sbr.rel .LBB2_1-.Ltmp0, $4  }
0xf: {  	s21 =	simm.s32 $0x0;
	s6 =	sshll.u32 s2, $0x4;
	[tilespmem:$0xA0] =	vst v1;
	[sflag:s31] =	ssyncpa.u1 $0x0  }
0x10: {  	s8 =	sshll.u32 s2, $0x1;
	s11 =	sshllo.u32 s2, $0x1;
	[sflag:s5] =	ssyncpa.u1 $0x0  }
0x11: {  	vm0 =	vmmov $0xffff;
	s9 =	sadd.s32 $0x10, s6;
	s12 =	sor.u32 $0x80, s8;
	[sflag:s7] =	ssyncpa.u1 $0x0  }
0x12: {  	v2 =	vlaneseq.u32;
	vm1 =	vmxor vm1, vm1;
	vm2 =	vmmov $0x1;
	s22 =	smov.u32 s6;
	[sflag:s10] =	ssyncpa.u1 $0x0;
	s10 =	sor.u32 $0x81, s8  }
.LBB2_7:
0x13: {  	_ =	swait.ge [sflag:s5], $0x10  }
0x14: {  	[sflag:s5] =	ssyncset.done $0x0  }
0x15: {  	[sflag:s5] =	ssyncadd.s32 $0xFFFFFFF0;
	(ifvalue) =	ssetifvalue $0xFFFFFFFF;
	v3 =	vld.msk [tilespmem:s14+$0x0 ss:$0x1], $0xffff;
	_ =	sdelay $0x4  }
0x16: {  	v4 =	vshrl.u32 v3, $0x8;
	vm3 =	veq.s32 v3, $0x80000000;
	v3 =	vand.u32 $0xFF, v3  }
0x17: {  	v4 =	vand.u32 $0xFF, v4;
	v3 =	vsel vm3, $0xFFFFFFFF, v3  }
0x18: {  	v4 =	vsel vm3, $0xFFFFFFFF, v4;
	v6 =	vshll.u32 v3, $0x8  }
0x19: {  	v3 =	vshll.u32 v3, $0x7;
	v5 =	vand.u32 $0x7F, v4;
	v4 =	vshll.u32 v4, $0x3  }
0x1a: {  	v6 =	vand.u32 $0xFFFFF800, v6;
	v3 =	vand.u32 $0x380, v3;
	v4 =	vand.u32 $0xFFFFFC00, v4  }
0x1b: {  	v3 =	vor.u32 v5, v3;
	v4 =	vadd.s32 v6, v4  }
0x1c: {  	v3 =	vor.u32 v4, v3  }
0x1d: {  	v59 =	vperm.xlane v3, v1  }
0x1e: {  	vm3 =	vlt.u32 v4, $0x10000  }
0x1f: {  	v3 =	vnsel vm3, $0xFFFFFFFE, v3;
	vm3 =	vlt.u32 v59, $0x10000  }
0x20: {  	[tilespmem:$0x70] =	vst v3;
	v3 =	vnsel vm3, $0xFFFFFFFE, v59  }
0x21: {  	[tilespmem:$0x80] =	vst v3  }
0x22: {  	v3 =	vld.msk [tilespmem:s14+$0x0 ss:$0x1], $0xffff;
	_ =	sdelay $0x4  }
0x23: {  	v60 =	vshrl.u32 v3, $0x8;
	vm3 =	veq.s32 v3, $0x80000000;
	v3 =	vand.u32 $0xFF, v3  }
0x24: {  	v4 =	vand.u32 $0xFF, v60;
	v3 =	vsel vm3, $0xFFFFFFFF, v3  }
0x25: {  	v4 =	vsel vm3, $0xFFFFFFFF, v4;
	v62 =	vshll.u32 v3, $0x8  }
0x26: {  	v3 =	vshll.u32 v3, $0x7;
	v61 =	vand.u32 $0x7F, v4;
	v4 =	vshll.u32 v4, $0x3  }
0x27: {  	v6 =	vand.u32 $0xFFFFF800, v62;
	v3 =	vand.u32 $0x380, v3;
	v4 =	vand.u32 $0xFFFFFC00, v4  }
0x28: {  	v3 =	vor.u32 v61, v3;
	v4 =	vadd.s32 v6, v4  }
0x29: {  	v3 =	vor.u32 v4, v3  }
0x2a: {  	(xrf1) =	vunique.msk.u32 $0xffff, v3;
	_ =	sdelay $0xd  }
0x2b: {  	v63, _, _ =	vpop (xrf1)  }
0x2c: {  	vm4 =	vne.s32 v3, $0xFFFFFFFF;
	vm3 =	veq.s32 v63, v2  }
0x2d: {  	vm5 =	vlt.u32 v4, $0x10000;
	vm3 =	vmand vm4, vm3  }
0x2e: {  	vm3 =	vmand vm5, vm3  }
0x2f: {  	v3 =	vnsel vm3, $0xFFFFFFFF, v3;
	_ =	sdelay $0x3  }
0x30: {  	s23 =	sshrl.u32 s23, $0x3;
	(ifvalue) =	ssetifvalue $0xFFFFFFFF  }
0x31: {  	[tilespmem:s15], [sflag:$0x8] =	stream.indirect_vreg.gather [hbm4b:s1+s13], $0x1, v3, vm0, $0x4038;
	v3 =	vnsel vm5, $0xFFFFFFFE, v3;
	[tilespmem:$0x1B0] =	vst v63  }
0x32: {  	s23 =	sadd.s32 s4, s23;
	[tilespmem:$0x100] =	vst v3  }
0x33: {  	[tilespmem:s16], [sflag:$0x8] =	stream.linear.gather [hbm:s23], $0x10, $0x38;
	[tilespmem:$0x1B0] =	vst v63  }
.LBB2_8:
0x34: {  	s23 =	sadd.s32 $0x10, s22  }
0x35: {  	s24 =	smov.u32 s6;
	s19 =	sadd.s32 $0x40, s19;
	p0 =	slt.s32 s23, s9  }
0x36: {  	s24 =	smov.u32 @p0 s23;
	p0 =	sne.s32 s19, $0x100  }
.Ltmp1:
0x37: {  	_ = 	snop;
	(pc) =	sbr.rel @!p0 .LBB2_9-.Ltmp1, $3  }
0x38: {  	_ =	sdelay $0x1  }
0x39: {  	s21 =	sadd.s32 $0x1, s21  }
0x3a: {  	s20 =	sadd.s32 $0x10, s20;
	s23 =	smov.u32 s22;
	s22 =	smov.u32 s24  }
.LBB2_1:
0x3b: {  	p0 =	seq.s32 s21, $0x1  }
.Ltmp2:
0x3c: {  	_ = 	snop;
	(pc) =	sbr.rel @p0 .LBB2_7-.Ltmp2, $1  }
0x3d: {  	_ =	sdelay $0x3  }
0x3e: {  	p0 =	sne.s32 s21, $0x0  }
.Ltmp3:
0x3f: {  	_ = 	snop;
	(pc) =	sbr.rel @p0 .LBB2_4-.Ltmp3, $1  }
0x40: {  	_ =	sdelay $0x3  }
.Ltmp4:
0x41: {  	(pc) =	sbr.rel .LBB2_8-.Ltmp4, $4  }
0x42: {  	_ = 	snop  }
0x43: {  	s23 =	sshrl.u32 s22, $0x3  }
0x44: {  	s24 =	sand.u32 $0x7, s22;
	s23 =	sadd.s32 s3, s23  }
0x45: {  	[tilespmem:s14], [sflag:$0x7] =	stream.linear.gather [hbm4b:s23+s24], $0x10, $0x38;
	[tilespmem:$0x1B0] =	vst v63  }
.LBB2_4:
0x46: {  	p0 =	seq.s32 s19, $0xC0  }
.Ltmp5:
0x47: {  	_ = 	snop;
	(pc) =	sbr.rel @p0 .LBB2_6-.Ltmp5, $1  }
0x48: {  	_ =	sdelay $0x3  }
0x49: {  	p0 =	sne.s32 s19, $0x80;
	_ =	swait.ge [sflag:s7], $0x20  }
0x4a: {  	[sflag:s7] =	ssyncset.done $0x0;
	s23 =	sshra.s32 @!p0 s19, $0x2  }
0x4b: {  	s24 =	simm.s32 @!p0 $0x1;
	[sflag:s7] =	ssyncadd.s32 $0xFFFFFFE0;
	s23 =	sadd.s32 @!p0 $0xEF, s23  }
0x4c: {  	[spmem:s10] =	stream.linear.scatter @!p0 [tilespmem:s23], [sflag:$0x1], $0x1, $0x38;
	[tilespmem:$0x1B0] =	vst v63  }
0x4d: {  	_ =	swait.ge @!p0 [sflag:s24], $0x1  }
0x4e: {  	[sflag:s24] =	ssyncset.done @!p0 $0x0  }
0x4f: {  	s23 =	sand.u32 $0x10, s20;
	[sflag:s24] =	ssyncadd.s32 @!p0 $0xFFFFFFFF  }
0x50: {  	s26 =	sxor.u32 $0x10, s23;
	v3 =	vld [tilespmem:s23+$0x10]  }
0x51: {  	v4 =	vld [tilespmem:s26+$0x60]  }
0x52: {  	v5 =	vld [tilespmem:$0x80];
	_ =	sdelay $0x2  }
0x53: {  	(v2sf) =	vpush v3, $0x0  }
0x54: {  	(v2sf) =	vpush v4, $0x0  }
0x55: {  	(v2sf) =	vpush v5, $0x0;
	_ =	sdelay $0xc  }
0x56: {  	s28 =	spop (v2sf)  }
0x57: {  	s29 =	spop (v2sf)  }
0x58: {  	s25 =	spop (v2sf)  }
0x59: {  	p1 =	seq.s32 s28, s29;
	p2 =	seq.s32 s25, s28  }
0x5a: {  	p2 =	por p1, p2  }
0x5b: {  	v3 =	vpsel p2, $0xFFFFFFFF, v3  }
0x5c: {  	v56 =	vld [tilespmem:s23+$0x150];
	[tilespmem:s23+$0x10] =	vst.msk $0x1, v3  }
0x5d: {  	v3 =	vld [tilespmem:$0x30]  }
0x5e: {  	v6 =	vld [tilespmem:s23+$0x40];
	_ =	sdelay $0x3  }
0x5f: {  	vm3 =	vmmov vm1;
	v4 =	vadd.f32 v56, v3  }
0x60: {  	vm4 =	vmmov vm2;
	vm3 =	vmmov @p1 vm2;
	v3 =	vadd.f32 v6, v3  }
0x61: {  	vm4 =	vmmov @p2 vm1;
	[tilespmem:s23+$0x150] =	vst.msk vm3, v4  }
0x62: {  	[tilespmem:s23+$0x190] =	vst.msk vm4, v3  }
0x63: {  	v3 =	vld [tilespmem:s23+$0x130];
	_ =	sdelay $0x4  }
0x64: {  	v3 =	vshift.insert v3, v0, s17  }
0x65: {  	s29 =	sor.u32 $0x40, s26  }
0x66: {  	[tilespmem:s29+$0x0] =	vst.msk $0x1, v3  }
0x67: {  	s30 =	sshra.s32 s19, $0x2;
	[tilespmem:s23+$0x13F] =	vst.msk $0x1, v0  }
0x68: {  	v3 =	vld [tilespmem:s30+$0xE0];
	_ =	sdelay $0x4  }
0x69: {  	v3 =	vshift.insert v3, v1, s17;
	_ =	sdelay $0x1  }
0x6a: {  	[tilespmem:s26+$0x10] =	vst.msk $0x1, v3  }
0x6b: {  	v4 =	vld [tilespmem:s23+$0x150]  }
0x6c: {  	v57 =	vld [tilespmem:s30+$0xE0];
	_ =	sdelay $0x3  }
0x6d: {  	v4 =	vadd.f32 $0.0e+00, v4  }
0x6e: {  	vm3 =	vne.s32 v57, $0xFFFFFFFF  }
0x6f: {  	(xrf2) =	vadd.seg.scan.f32 vm3, v4;
	_ =	sdelay $0x3  }
0x70: {  	v58 =	vperm.xlane v3, v1  }
0x71: {  	v7 =	vld [tilespmem:s23+$0x130]  }
0x72: {  	vm14 =	veq.s32 v57, v58;
	vm3 =	veq.s32 v57, v5  }
0x73: {  	vm5 =	vgt.u32 v57, $0xFFFFFFFD;
	vm4 =	vmor vm14, vm3  }
0x74: {  	vm4 =	vmor vm4, vm5  }
0x75: {  	v59 =	vsel vm4, $0xFFFFFFFF, v57  }
0x76: {  	v61 =	vsel vm3, $0x0, v7;
	v60, _, _ =	vpop (xrf2)  }
0x77: {  	v6 =	vadd.f32 v60, v61  }
0x78: {  	v62 =	vld [tilespmem:$0xA0]  }
0x79: {  	s31 =	sadd.s32 $0x170, s23;
	v8 =	vld [tilespmem:$0x90];
	[tilespmem:s23+$0x170] =	vst v6;
	(ifvalue) =	ssetifvalue $0xFFFFFFFF  }
0x7a: {  	[hbm4b:s1+s13] =	stream.indirect_vreg.scatter [tilespmem:s31], [sflag:$0x2], $0x1, v59, vm0, $0x4038;
	[tilespmem:$0x1B0] =	vst v63  }
0x7b: {  	v4 =	vld [tilespmem:s23+$0x170];
	_ =	sdelay $0x4  }
0x7c: {  	v4 =	vshift.insert v4, v0, s17  }
0x7d: {  	vm15 =	veq.s32 v62, $0x1  }
0x7e: {  	vm4 =	vmor vm15, vm3;
	v5 =	vsel vm3, v60, v8;
	[tilespmem:s18+$0x0] =	vst.msk $0x1, v4  }
0x7f: {  	v63 =	vsel vm4, $0x1, v1;
	[tilespmem:$0x90] =	vst v5  }
0x80: {  	s26 =	sadd.s32 @!p0 $0x17F, s23;
	[tilespmem:$0xA0] =	vst v63  }
0x81: {  	[spmem:s11] =	stream.linear.scatter @!p0 [tilespmem:s26], [sflag:$0x1], $0x1, $0x38;
	[tilespmem:$0x1B0] =	vst v63  }
0x82: {  	v4 =	vmctz.xlane @!p0 vm4;
	_ =	swait.ge @!p0 [sflag:s24], $0x1  }
0x83: {  	(v2sf) =	vpush @!p0 v3, $0x0  }
0x84: {  	(v2sf) =	vpush @!p0 v4, $0x0;
	_ =	sdelay $0xd  }
0x85: {  	s26 =	spop @!p0 (v2sf)  }
0x86: {  	s28 =	spop @!p0 (v2sf)  }
0x87: {  	p1 =	sne.s32 @!p0 s25, s26;
	p2 =	slt.s32 @!p0 s28, $0xF  }
0x88: {  	[sflag:s24] =	ssyncset.done @!p0 $0x0;
	p1 =	por p1, p0;
	p2 =	por !p2, p0  }
0x89: {  	[sflag:s24] =	ssyncadd.s32 @!p0 $0xFFFFFFFF;
	v3 =	vimm.s32 @!p1 $0xFFFFFFFF;
	s28 =	simm.s32 @p2 $0xF  }
0x8a: {  	[tilespmem:$0x80] =	vst @!p1 v3;
	s25 =	sadd.s32 @!p0 $0x90, s28  }
0x8b: {  	[spmem:s8] =	stream.linear.scatter @!p0 [tilespmem:s25], [sflag:$0x1], $0x1, $0x38;
	[tilespmem:$0x1B0] =	vst v63  }
0x8c: {  	_ =	swait.ge @!p0 [sflag:s24], $0x1  }
0x8d: {  	[sflag:s24] =	ssyncset.done @!p0 $0x0  }
0x8e: {  	s25 =	simm.s32 @!p0 $0x80;
	[sflag:s24] =	ssyncadd.s32 @!p0 $0xFFFFFFFF  }
0x8f: {  	[spmem:s12] =	stream.linear.scatter @!p0 [tilespmem:s25], [sflag:$0x1], $0x1, $0x38;
	[tilespmem:$0x1B0] =	vst v63  }
0x90: {  	_ =	swait.ge @!p0 [sflag:s24], $0x1  }
0x91: {  	[sflag:s24] =	ssyncset.done @!p0 $0x0  }
0x92: {  	[sflag:s24] =	ssyncadd.s32 @!p0 $0xFFFFFFFF;
	(ifvalue) =	ssetifvalue $0xFFFFFFFF;
	v3 =	vld [tilespmem:s23+$0x10];
	_ =	sdelay $0x3  }
.Ltmp6:
0x93: {  	_ = 	snop;
	(pc) =	sbr.rel .LBB2_8-.Ltmp6, $3  }
0x94: {  	_ =	sdelay $0x1  }
0x95: {  	s23 =	sadd.s32 $0x190, s23;
	(ifvalue) =	ssetifvalue $0xFFFFFFFF  }
0x96: {  	[hbm4b:s1+s13] =	stream.indirect_vreg.scatter [tilespmem:s23], [sflag:$0x9], $0x1, v3, vm0, $0x4038;
	[tilespmem:$0x1B0] =	vst v63  }
.LBB2_6:
0x97: {  	s3 =	simm.s32 $0x2  }
0x98: {  	_ =	swait.ge [sflag:s3], $0x10  }
0x99: {  	[sflag:s3] =	ssyncset.done $0x0  }
0x9a: {  	s31 =	simm.s32 $0x9;
	[sflag:s3] =	ssyncadd.s32 $0xFFFFFFF0  }
0x9b: {  	_ =	swait.ge [sflag:s31], $0x10  }
0x9c: {  	[sflag:s31] =	ssyncset.done $0x0  }
0x9d: {  	[sflag:s31] =	ssyncadd.s32 $0xFFFFFFF0  }
.LBB2_9:
0x9e: {  	_ =	sfence.sel $0x180000  }
0x9f: {  	s3 =	simm.s32 $0x7;
	[bflag:$0x0] =	sbarrier.arrive $0xFFFF  }
0xa0: {  	s26 =	simm.s32 $0x8;
	[sflag:s3] =	ssyncpa.u1 $0x1  }
0xa1: {  	s28 =	simm.s32 $0x9;
	[sflag:s26] =	ssyncpa.u1 $0x1  }
0xa2: {  	[sflag:s28] =	ssyncpa.u1 $0x1  }
0xa3: {  	_ =	sfence.stream.spmem  }
0xa4: {  	s29 =	simm.s32 $0x3;
	[bflag:$0x0] =	sbarrier.arrive $0xFFFF  }
0xa5: {  	s30 =	simm.s32 $0x4;
	[sflag:s29] =	ssyncpa.u1 $0x1  }
0xa6: {  	s31 =	simm.s32 $0x3C;
	[sflag:s30] =	ssyncpa.u1 $0x1  }
0xa7: {  	p0 =	sne.s32 s2, $0x0;
	[sflag:s31] =	ssyncpa.u1 $0x1  }
0xa8: {  	s0 =	simm.s32 @p0 $0x1;
	_ =	sfence @p0  }
0xa9: {  	[sflag:s0] =	ssyncpa.u1 @p0 $0x1;
	s0 =	simm.s32 @p0 $0x2  }
0xaa: {  	[sflag:s0] =	ssyncpa.u1 @p0 $0x1  }
0xab: {  	_ =	strace @p0 $0x9000004D  }
0xac: {  	[bflag:$0x2] =	sbarrier.arrive @p0 $0xFFFF  }
0xad: {  	_ =	shalt @p0  }
.LBB2_10:
0xae: {  	_ =	sfence.stream.spmem;
	s4 =	simm.s32 $0x5  }
0xaf: {  	s2 =	simm.s32 $0x80;
	s3 =	simm.s32 $0xC0;
	[sflag:s4] =	ssyncpa.u1 $0x0  }
0xb0: {  	[tilespmem:s3], [sflag:$0x5] =	stream.linear.gather [spmem:s2], $0x20, $0x38;
	[tilespmem:$0x1B0] =	vst v63  }
0xb1: {  	s2 =	simm.s32 $0x0;
	s3 =	simm.s32 $0xE0  }
0xb2: {  	[tilespmem:s3], [sflag:$0x5] =	stream.linear.gather [spmem:s2], $0x20, $0x38;
	[tilespmem:$0x1B0] =	vst v63  }
.Ltmp7:
0xb3: {  	_ = 	snop;
	(pc) =	sbr.rel .LBB2_11-.Ltmp7, $4  }
0xb4: {  	_ =	swait.ge [sflag:s4], $0x40  }
0xb5: {  	[sflag:s4] =	ssyncset.done $0x0  }
0xb6: {  	s31 =	simm.s32 $0x6;
	[sflag:s4] =	ssyncadd.s32 $0xFFFFFFC0  }
0xb7: {  	s4 =	simm.s32 $0x0;
	[sflag:s31] =	ssyncpa.u1 $0x0  }
.LBB2_16:
0xb8: {  	p0 =	sgt.u32 s5, $0xFFFF  }
0xb9: {  	s6 =	sshrl.u32 @!p0 s5, $0x3  }
0xba: {  	s5 =	sand.u32 @!p0 $0x7, s5;
	s7 =	simm.s32 @!p0 $0xB0;
	s6 =	sadd.s32 @!p0 s1, s6  }
0xbb: {  	[tilespmem:s7], [sflag:$0x6] =	stream.linear.gather @!p0 [hbm4b:s6+s5], $0x1, $0x38;
	[tilespmem:$0x1B0] =	vst v63  }
0xbc: {  	s5 =	simm.s32 @!p0 $0x6  }
0xbd: {  	_ =	swait.ge @!p0 [sflag:s5], $0x1  }
0xbe: {  	[sflag:s5] =	ssyncset.done @!p0 $0x0  }
0xbf: {  	[sflag:s5] =	ssyncadd.s32 @!p0 $0xFFFFFFFF  }
0xc0: {  	v2 =	vmov @!p0 s4;
	v1 =	vld.msk @!p0 [tilespmem:$0xB0], $0x1;
	_ =	sdelay $0x3  }
0xc1: {  	s5 =	simm.s32 @!p0 $0xE0  }
0xc2: {  	[tilespmem:v2+s5+$0x0], v1 =	vst.idx.ret.add.f32.msk @!p0 $0x1, v1  }
0xc3: {  	[tilespmem:s2+$0xC0] =	vst.msk $0x1, v0  }
0xc4: {  	v0 =	vld.msk [tilespmem:s4+$0xE0], $0x1;
	_ =	sdelay $0x4  }
0xc5: {  	[tilespmem:s2+$0xE0] =	vst.msk $0x1, v0;
	s2 =	sadd.s32 $0x1, s2  }
.LBB2_18:
0xc6: {  	s4 =	sadd.s32 $0x1, s4  }
0xc7: {  	p0 =	sne.s32 s4, $0x20  }
.Ltmp8:
0xc8: {  	_ = 	snop;
	(pc) =	sbr.rel @!p0 .LBB2_19-.Ltmp8, $1  }
0xc9: {  	_ =	sdelay $0x3  }
.LBB2_11:
0xca: {  	v0 =	vld.msk [tilespmem:s4+$0xC0], $0x1;
	_ =	sdelay $0x4  }
0xcb: {  	(v2sf) =	vpush v0, $0x0;
	_ =	sdelay $0xe  }
0xcc: {  	s5 =	spop (v2sf)  }
0xcd: {  	p0 =	seq.s32 s5, $0xFFFFFFFF  }
.Ltmp9:
0xce: {  	_ = 	snop;
	(pc) =	sbr.rel @p0 .LBB2_18-.Ltmp9, $1  }
0xcf: {  	_ =	sdelay $0x3  }
0xd0: {  	p0 =	slt.s32 s2, $0x1  }
.Ltmp10:
0xd1: {  	_ = 	snop;
	(pc) =	sbr.rel @p0 .LBB2_16-.Ltmp10, $1  }
0xd2: {  	_ =	sdelay $0x3  }
0xd3: {  	s6 =	simm.s32 $0xC0;
	p0 =	por $0x0, $0x0  }
0xd4: {  	v1 =	vld.msk @!p0 [tilespmem:s6+$0x0], $0x1;
	_ =	sdelay $0x4  }
0xd5: {  	(v2sf) =	vpush @!p0 v1, $0x0;
	_ =	sdelay $0xd  }
0xd6: {  	p2 =	sne.s32 s2, $0x1  }
.Ltmp11:
0xd7: {  	s7 =	spop @!p0 (v2sf);
	(pc) =	sbr.rel @!p2 .LBB2_15-.Ltmp11, $4  }
0xd8: {  	p1 =	seq.s32 @!p0 s5, s7  }
0xd9: {  	s7 =	simm.s32 $0x0;
	p1 =	por !p1, p0  }
0xda: {  	s9 =	simm.s32 $0xFFFFFFFF;
	s7 =	simm.s32 @p1 $0xFFFFFFFF  }
0xdb: {  	s8 =	simm.s32 $0x1;
	s7 =	smov.u32 @p0 s9  }
.LBB2_14:
0xdc: {  	s9 =	smov.u32 s7;
	p0 =	sne.s32 s7, $0xFFFFFFFF  }
0xdd: {  	s6 =	sadd.s32 $0x1, s6;
	s7 =	smov.u32 s8;
	s8 =	sadd.s32 $0x1, s8  }
0xde: {  	p1 =	sne.s32 s2, s8;
	v1 =	vld.msk @!p0 [tilespmem:s6+$0x0], $0x1;
	_ =	sdelay $0x4  }
0xdf: {  	(v2sf) =	vpush @!p0 v1, $0x0;
	_ =	sdelay $0xe  }
.Ltmp12:
0xe0: {  	s10 =	spop @!p0 (v2sf);
	(pc) =	sbr.rel @p1 .LBB2_14-.Ltmp12, $4  }
0xe1: {  	p2 =	seq.s32 @!p0 s5, s10  }
0xe2: {  	p2 =	por !p2, p0  }
0xe3: {  	s7 =	simm.s32 @p2 $0xFFFFFFFF  }
0xe4: {  	s7 =	smov.u32 @p0 s9  }
.LBB2_15:
0xe5: {  	p0 =	sne.s32 s7, $0xFFFFFFFF  }
.Ltmp13:
0xe6: {  	_ = 	snop;
	(pc) =	sbr.rel @!p0 .LBB2_16-.Ltmp13, $1  }
0xe7: {  	_ =	sdelay $0x3  }
0xe8: {  	v0 =	vld.msk [tilespmem:s4+$0xE0], $0x1;
	v1 =	vmov s7  }
.Ltmp14:
0xe9: {  	_ = 	snop;
	(pc) =	sbr.rel .LBB2_18-.Ltmp14, $2  }
0xea: {  	_ =	sdelay $0x2  }
0xeb: {  	[tilespmem:v1+s3+$0x0], v0 =	vst.idx.ret.add.f32.msk $0x1, v0  }
.LBB2_19:
0xec: {  	p0 =	slt.s32 s2, $0x1  }
.Ltmp15:
0xed: {  	_ = 	snop;
	(pc) =	sbr.rel @p0 .LBB2_23-.Ltmp15, $3  }
0xee: {  	_ =	sdelay $0x1  }
0xef: {  	s3 =	simm.s32 $0x6  }
0xf0: {  	[sflag:s3] =	ssyncpa.u1 $0x1;
	s3 =	simm.s32 $0x0  }
0xf1: {  	s4 =	simm.s32 $0xC0  }
0xf2: {  	v0 =	vld.msk [tilespmem:s4+$0x0], $0x1;
	_ =	sdelay $0x4  }
0xf3: {  	(v2sf) =	vpush v0, $0x0;
	_ =	sdelay $0xe  }
0xf4: {  	s2 =	sadd.s32 $0xFFFFFFFF, s2;
	s5 =	spop (v2sf)  }
0xf5: {  	p1 =	sne.s32 s2, $0x0;
	p0 =	sgt.u32 s5, $0xFFFF  }
.Ltmp16:
0xf6: {  	s6 =	sshrl.u32 @!p0 s5, $0x3;
	(pc) =	sbr.rel @!p1 .LBB2_22-.Ltmp16, $4  }
0xf7: {  	s4 =	simm.s32 $0xE0;
	s5 =	sand.u32 @!p0 $0x7, s5;
	s6 =	sadd.s32 @!p0 s1, s6  }
0xf8: {  	[hbm4b:s6+s5] =	stream.linear.scatter @!p0 [tilespmem:s4], [sflag:$0x5], $0x1, $0x38;
	[tilespmem:$0x1B0] =	vst v63  }
0xf9: {  	s6 =	simm.s32 $0x0  }
0xfa: {  	s5 =	simm.s32 $0xC1;
	s6 =	simm.s32 @!p0 $0x4  }
.LBB2_21:
0xfb: {  	v0 =	vld.msk [tilespmem:s5+$0x0], $0x1;
	s2 =	sadd.s32 $0xFFFFFFFF, s2;
	s3 =	sadd.s32 s3, s6  }
0xfc: {  	p0 =	sne.s32 s2, $0x0;
	_ =	sdelay $0x3  }
0xfd: {  	(v2sf) =	vpush v0, $0x0;
	_ =	sdelay $0xe  }
.Ltmp17:
0xfe: {  	s7 =	spop (v2sf);
	(pc) =	sbr.rel @p0 .LBB2_21-.Ltmp17, $4  }
0xff: {  	s6 =	simm.s32 $0x0;
	p1 =	sgt.u32 s7, $0xFFFF  }
0x100: {  	s4 =	sadd.s32 $0x1, s4;
	s6 =	simm.s32 @!p1 $0x4;
	s8 =	sshrl.u32 @!p1 s7, $0x3  }
0x101: {  	s5 =	sadd.s32 $0x1, s5;
	s7 =	sand.u32 @!p1 $0x7, s7;
	s8 =	sadd.s32 @!p1 s1, s8  }
0x102: {  	[hbm4b:s8+s7] =	stream.linear.scatter @!p1 [tilespmem:s4], [sflag:$0x5], $0x1, $0x38;
	[tilespmem:$0x1B0] =	vst v63  }
.LBB2_22:
0x103: {  	s1 =	sadd.s32 s3, s6  }
0x104: {  	s3 =	sshrl.u32 s1, $0x2  }
.LBB2_23:
0x105: {  	s1 =	simm.s32 $0x5  }
0x106: {  	_ =	swait.ge [sflag:s1], s3  }
0x107: {  	s2 =	ssub.s32 $0x0, s3;
	[sflag:s1] =	ssyncset.done $0x0  }
0x108: {  	[sflag:s1] =	ssyncadd.s32 s2  }
0x109: {  	[sflag:s1] =	ssyncpa.u1 $0x1  }
0x10a: {  	s30 =	simm.s32 $0x1;
	_ =	sfence  }
0x10b: {  	s31 =	simm.s32 $0x2;
	[sflag:s30] =	ssyncpa.u1 $0x1  }
0x10c: {  	[sflag:s31] =	ssyncpa.u1 $0x1  }
0x10d: {  	_ =	strace $0x9000004D  }
0x10e: {  	s0 =	sadd.s32 $0x100000, s0;
	[bflag:$0x2] =	sbarrier.arrive $0xFFFF  }
0x10f: {  	[sflag:s0] =	ssyncadd.tile.s32 $0x1;
	_ =	shalt  }
.Lfunc_end2:
_tile_overlayer_lowered:
.L_overlay_start_2:
0x110: {  	(tag) =	ssettag $0x2  }
0x111: {  	s0 =	rddreg [dreg:$0x0];
	s2 =	stileid.u32  }
0x112: {  	s1 =	rddreg [dreg:$0x1];
	p0 =	sne.s32 s2, $0x0  }
0x113: {  	s3 =	rddreg [dreg:$0x2];
	[bflag:$0x3] =	sbarrier.arrive $0xFFFF;
	s2 =	simm.s32 @!p0 $0x1C01  }
0x114: {  	[timem:s3], [sflag:s2] =	dma.local @!p0 [hbm:s0], s1  }
0x115: {  	s0 =	simm.s32 @!p0 $0x1  }
0x116: {  	_ =	swait.ge @!p0 [sflag:s0], s1  }
0x117: {  	s1 =	ssub.s32 @!p0 $0x0, s1;
	[sflag:s0] =	ssyncset.done @!p0 $0x0  }
0x118: {  	[sflag:s0] =	ssyncadd.s32 @!p0 s1  }
0x119: {  	[bflag:$0x3] =	sbarrier.arrive $0xFFFF  }
0x11a: {  	_ =	shalt  }

// kernel: scatter_offload_async_start.3
scs
__scs_entry_jumppad:
0x0: {  	(pc) =	sbr.rel $0x88, $3  }
0x1: {  	(tag) =	ssettag $0x0;
	lr =	simm.s32 $0x1  }
0x2: {  	[smem:$0x3F8E] =	sst lr;
	_ =	strace $0xD0000000  }
0x3: {  	_ = 	snop  }
0x4: {  	_ = 	snop  }
0x5: {  	_ = 	snop  }
0x6: {  	_ = 	snop  }
0x7: {  	_ = 	snop  }
__scs_overlays_trampoline_lowered:
0x8: {  	[smem:$0x3F9D] =	sst s0  }
0x9: {  	[smem:$0x3F9E] =	sst s1  }
0xa: {  	[smem:$0x3F9F] =	sst s2  }
0xb: {  	[smem:$0x3FA0] =	sst s3  }
0xc: {  	[smem:$0x3FA1] =	sst s4  }
0xd: {  	[smem:$0x3FA2] =	sst s5  }
0xe: {  	[smem:$0x3FA3] =	sst s6  }
0xf: {  	[smem:$0x3FA4] =	sst s7  }
0x10: {  	[smem:$0x3FA5] =	sst s8  }
0x11: {  	[smem:$0x3FA6] =	sst s9;
	s0 =	simm.s32 @!p0 $0x0  }
0x12: {  	s1 =	sld [smem:$0x3F8C];
	s0 =	simm.s32 @p0 $0x1  }
0x13: {  	[smem:$0x3FA7] =	sst s0;
	s0 =	simm.s32 @!p1 $0x0  }
0x14: {  	s2 =	sld [smem:$0x3F8B];
	s0 =	simm.s32 @p1 $0x1  }
0x15: {  	[smem:$0x3FA8] =	sst s0;
	s0 =	simm.s32 @!p2 $0x0  }
0x16: {  	s3 =	sld [smem:$0x3FDB];
	s0 =	simm.s32 @p2 $0x1  }
0x17: {  	s4 =	simm.s32 $0x1BF5;
	[smem:$0x3FAA] =	sst s0  }
0x18: {  	s0 =	sld [smem:$0x3F8D];
	_ =	swait.ge [sflag:s4], $0x0  }
0x19: {  	s7 =	sld [smem:$0x3F8E]  }
0x1a: {  	s8 =	sadd.s32 $0xFFFFE003, lr  }
0x1b: {  	s9 =	sadd.s32 $0xFFFFFEF7, lr;
	s5 =	simm.s32 $0xFFFFFFFF;
	p2 =	slt.u32 s8, $0xFFFFF086  }
0x1c: {  	p1 =	slt.u32 s9, $0xF7A;
	s5 =	simm.s32 @!p2 $0x0  }
0x1d: {  	s5 =	simm.s32 @p1 $0x1;
	p0 =	seq.s32 s7, s2  }
0x1e: {  	s7 =	smul.u32 @!p0 $0xF7A, s2;
	p2 =	seq.s32 @!p0 s5, $0x0  }
0x1f: {  	s9 =	smul.u32 $0xF7A, s1;
	s8 =	simm.s32 @!p0 $0x1BF5;
	p2 =	por !p2, p0  }
0x20: {  	[sflag:s8] =	ssyncset.s32 @!p0 $0xFFFFF086;
	s6 =	sadd.s32 @!p0 s3, s7;
	s7 =	simm.s32 @!p0 $0x108  }
0x21: {  	s3 =	sadd.s32 s3, s9;
	s6 =	sadd.s32 @!p0 $0x88, s6;
	s7 =	simm.s32 @p2 $0x1082  }
0x22: {  	[simem:s7], [sflag:s8] =	dma.local @!p0 [hbm:s6], $0xF7A  }
0x23: {  	s9 =	sor.u32 $0xD0000000, s2;
	s6 =	simm.s32 $0x108;
	_ =	swait.ge @!p0 [sflag:s8], $0x0  }
0x24: {  	s3 =	sadd.s32 $0x88, s3;
	s6 =	simm.s32 @!p1 $0x1082;
	[sflag:s4] =	ssyncset.s32 $0xFFFFF086  }
0x25: {  	[simem:s6], [sflag:s4] =	dma.local [hbm:s3], $0xF7A  }
0x26: {  	[smem:$0x3F8E] =	sst s1;
	(tag) =	ssettag s2;
	_ =	strace s9  }
0x27: {  	s1 =	sld [smem:$0x3F9E]  }
0x28: {  	s2 =	sld [smem:$0x3F9F]  }
0x29: {  	s4 =	sld [smem:$0x3FA1]  }
0x2a: {  	p0 =	seq.s32 s5, $0x0;
	s5 =	sld [smem:$0x3FA2]  }
0x2b: {  	s6 =	sld [smem:$0x3FA3]  }
0x2c: {  	s7 =	sld [smem:$0x3FA4]  }
0x2d: {  	s3 =	simm.s32 $0x108;
	s8 =	sld [smem:$0x3FA5]  }
0x2e: {  	s3 =	simm.s32 @!p0 $0x1082;
	s9 =	sld [smem:$0x3FA6]  }
0x2f: {  	lr =	sadd.s32 s0, s3;
	s0 =	sld [smem:$0x3F9D]  }
0x30: {  	s3 =	sld [smem:$0x3FA0]  }
0x31: {  	[smem:$0x3FA9] =	sst s10  }
0x32: {  	s10 =	sld [smem:$0x3FA7];
	_ =	sdelay $0x3  }
0x33: {  	p0 =	seq.s32 s10, $0x1;
	s10 =	sld [smem:$0x3FA9];
	_ =	sdelay $0x3  }
0x34: {  	[smem:$0x3FA9] =	sst s10  }
0x35: {  	s10 =	sld [smem:$0x3FA8];
	_ =	sdelay $0x3  }
0x36: {  	p1 =	seq.s32 s10, $0x1;
	s10 =	sld [smem:$0x3FA9];
	_ =	sdelay $0x3  }
0x37: {  	[smem:$0x3FA9] =	sst s10  }
0x38: {  	s10 =	sld [smem:$0x3FAA]  }
0x39: {  	_ = 	snop;
	(pc) =	sbr.ind lr, $3  }
0x3a: {  	_ = 	snop  }
0x3b: {  	_ = 	snop  }
0x3c: {  	p2 =	seq.s32 s10, $0x1;
	s10 =	sld [smem:$0x3FA9]  }
0x3d: {  	_ =	shalt  }
0x3e: {  	_ =	shalt  }
0x3f: {  	_ =	shalt  }
0x40: {  	_ =	shalt  }
0x41: {  	_ =	shalt  }
0x42: {  	_ =	shalt  }
0x43: {  	_ =	shalt  }
0x44: {  	_ =	shalt  }
0x45: {  	_ =	shalt  }
0x46: {  	_ =	shalt  }
0x47: {  	_ =	shalt  }
0x48: {  	_ =	shalt  }
0x49: {  	_ =	shalt  }
0x4a: {  	_ =	shalt  }
0x4b: {  	_ =	shalt  }
0x4c: {  	_ =	shalt  }
0x4d: {  	_ =	shalt  }
0x4e: {  	_ =	shalt  }
0x4f: {  	_ =	shalt  }
0x50: {  	_ =	shalt  }
0x51: {  	_ =	shalt  }
0x52: {  	_ =	shalt  }
0x53: {  	_ =	shalt  }
0x54: {  	_ =	shalt  }
0x55: {  	_ =	shalt  }
0x56: {  	_ =	shalt  }
0x57: {  	_ =	shalt  }
0x58: {  	_ =	shalt  }
0x59: {  	_ =	shalt  }
0x5a: {  	_ =	shalt  }
0x5b: {  	_ =	shalt  }
0x5c: {  	_ =	shalt  }
0x5d: {  	_ =	shalt  }
0x5e: {  	_ =	shalt  }
0x5f: {  	_ =	shalt  }
0x60: {  	_ =	shalt  }
0x61: {  	_ =	shalt  }
0x62: {  	_ =	shalt  }
0x63: {  	_ =	shalt  }
0x64: {  	_ =	shalt  }
0x65: {  	_ =	shalt  }
0x66: {  	_ =	shalt  }
0x67: {  	_ =	shalt  }
0x68: {  	_ =	shalt  }
0x69: {  	_ =	shalt  }
0x6a: {  	_ =	shalt  }
0x6b: {  	_ =	shalt  }
0x6c: {  	_ =	shalt  }
0x6d: {  	_ =	shalt  }
0x6e: {  	_ =	shalt  }
0x6f: {  	_ =	shalt  }
0x70: {  	_ =	shalt  }
0x71: {  	_ =	shalt  }
0x72: {  	_ =	shalt  }
0x73: {  	_ =	shalt  }
0x74: {  	_ =	shalt  }
0x75: {  	_ =	shalt  }
0x76: {  	_ =	shalt  }
0x77: {  	_ =	shalt  }
0x78: {  	_ =	shalt  }
0x79: {  	_ =	shalt  }
0x7a: {  	_ =	shalt  }
0x7b: {  	_ =	shalt  }
0x7c: {  	_ =	shalt  }
0x7d: {  	_ =	shalt  }
0x7e: {  	_ =	shalt  }
0x7f: {  	_ =	shalt  }
0x80: {  	_ =	shalt  }
0x81: {  	_ =	shalt  }
0x82: {  	_ =	shalt  }
0x83: {  	_ =	shalt  }
0x84: {  	_ =	shalt  }
0x85: {  	_ =	shalt  }
0x86: {  	_ =	shalt  }
0x87: {  	_ =	shalt  }
.Lfunc_end0:
.L_simem_size_0:
called_computation.3_lowered:
.L_overlay_start_0:
0x88: {  	s0 =	sld [smem:$0x3FD9]  }
0x89: {  	s1 =	sld [smem:$0x3FFE];
	_ =	sdelay $0x3  }
0x8a: {  	s0 =	sadd.s32 s1, s0  }
0x8b: {  	[smem:$0x3FB5] =	sst s0  }
0x8c: {  	_ = 	snop  }
0x8d: {  	s0 =	sld [smem:$0x3FD0];
	_ =	sdelay $0x2  }
0x8e: {  	s13 =	simm.s32 $0xA;
	s2 =	simm.s32 $0x10  }
0x8f: {  	[smem:s2], [sflag:s13] =	dma.local [hbm:s0], $0x1  }
0x90: {  	_ =	swait.eq [sflag:s13], $0x1  }
0x91: {  	[sflag:s13] =	ssyncset.done $0x0  }
0x92: {  	[sflag:s13] =	ssyncadd.s32 $0xFFFFFFFF  }
0x93: {  	s14 =	sld [smem:$0x11];
	(tm) =	ssettm $0x1  }
0x94: {  	s15 =	sld [smem:$0x3FFB];
	_ =	sdelay $0x3  }
0x95: {  	_ =	strace s15  }
0x96: {  	s1 =	sld [smem:$0x3FFC];
	_ =	sdelay $0x3  }
0x97: {  	_ =	strace s1  }
0x98: {  	s1 =	sld [smem:$0x3FFD];
	_ =	sdelay $0x3  }
0x99: {  	_ =	strace s1  }
0x9a: {  	_ =	strace $0x8FFFFFFF  }
0x9b: {  	s16 =	sld [smem:$0x3FDB];
	_ =	sdelay $0x1  }
0x9c: {  	s17 =	simm.s32 $_scs_section_size  }
0x9d: {  	s3 =	simm.s32 $_size__tile_overlayer_lowered;
	s4 =	simm.s32 $_tile_overlayer_lowered  }
0x9e: {  	s20 =	simm.s32 $0x1BFF;
	s19 =	sshll.u32 s4, $0x1;
	s1 =	sadd.s32 s17, s16  }
0x9f: {  	s5 =	simm.s32 $0x0;
	s18 =	sshll.u32 s3, $0x1;
	s3 =	sadd.s32 s19, s1  }
0xa0: {  	[timem:s5], [sflag:s20] =	dma.local [hbm:s3], s18  }
0xa1: {  	_ =	swait.ge [sflag:s20], s18  }
0xa2: {  	s2 =	ssub.s32 $0x0, s18;
	[sflag:s20] =	ssyncset.done $0x0  }
0xa3: {  	[sflag:s20] =	ssyncadd.s32 s2;
	_ =	sdelay $0x1  }
0xa4: {  	s21 =	simm.s32 $0x1B8B  }
0xa5: {  	_ =	swait.ge [sflag:s21], $0x1  }
0xa6: {  	[sflag:s21] =	ssyncset.done $0x0  }
0xa7: {  	s23 =	simm.s32 $0x1B8E;
	s22 =	sld [smem:$0x3FFE];
	[sflag:s21] =	ssyncadd.s32 $0xFFFFFFFF  }
0xa8: {  	s24 =	simm.s32 $execute0_lowered;
	[smem:$0x3FD2] =	sst s23  }
0xa9: {  	s3 =	sshll.u32 s24, $0x1;
	_ =	strace $0x8000004F;
	[dreg:$0x1] =	wrdreg $0xFFFFFFFF  }
0xaa: {  	s25 =	simm.s32 $_size_execute0_lowered;
	s1 =	sadd.s32 s1, s3;
	[dreg:$0x0] =	wrdreg $0x0  }
0xab: {  	s3 =	sshll.u32 s25, $0x1;
	[dreg:$0x2] =	wrdreg s1  }
0xac: {  	[dreg:$0x3] =	wrdreg s3  }
0xad: {  	[dreg:$0x4] =	wrdreg $0xC0  }
0xae: {  	_ =	task [dreg:s5], $0x5FFFF  }
0xaf: {  	[dreg:$0x1] =	wrdreg $0xFFFFFFFF  }
0xb0: {  	[dreg:$0x0] =	wrdreg $0x60  }
0xb1: {  	[dreg:$0x2] =	wrdreg s14  }
0xb2: {  	[dreg:$0x3] =	wrdreg s22  }
0xb3: {  	[dreg:$0x4] =	wrdreg $0x9  }
0xb4: {  	_ =	task.clear_ibuf [dreg:s5], $0x5FFFF;
	_ =	strace $0x9000004F  }
0xb5: {  	s26 =	simm.s32 $0x9;
	_ =	strace $0x80000051  }
0xb6: {  	_ =	swait.ge [sflag:s26], $0x1  }
0xb7: {  	[sflag:s26] =	ssyncadd.s32 $0xFFFFFFFF  }
0xb8: {  	_ =	strace $0x90000051  }
0xb9: {  	_ =	sfence  }
0xba: {  	s28 =	sld [smem:$0x0];
	_ =	sdelay $0x1  }
0xbb: {  	s29 =	srdreg.scid  }
0xbc: {  	s30 =	sshll.u32 s29, $0xD;
	s31 =	sshrl.u32 s29, $0x2  }
0xbd: {  	s2 =	sand.u32 $0x4000, s30;
	s1 =	sand.u32 $0x1, s29;
	s0 =	sadd.s32 s31, s28  }
0xbe: {  	s1 =	sor.u32 s2, s1;
	s0 =	sshll.u32 s0, $0x11  }
0xbf: {  	s0 =	sor.u32 s0, s1  }
0xc0: {  	s0 =	sadd.s32 $0x8F2B, s0  }
0xc1: {  	[sflag:s0] =	ssyncadd.remote.s32 $0x1  }
0xc2: {  	_ =	sfence.sel $0xFFFF  }
0xc3: {  	[dreg:$0x0] =	wrdreg $0xFFFFFFFF;
	(pc) =	sbr.abs _section_cstart, $3  }
0xc4: {  	[dreg:$0x1] =	wrdreg $0xFFFFFFFF  }
0xc5: {  	_ =	task.clear_ibuf [dreg:s5], $0x2FFFF;
	_ =	strace $0x9FFFFFFF  }
0xc6: {  	(tm) =	ssettm $0x7FFFFFFF  }
0xc7: {  	_ =	shalt  }
tec
execute0_lowered:
.L_overlay_start_1:
0x0: {  	(tag) =	ssettag $0x1  }
0x1: {  	s1 =	rddreg [dreg:$0x0]  }
0x2: {  	s2 =	rddreg [dreg:$0x1]  }
0x3: {  	s0 =	rddreg [dreg:$0x2];
	_ =	strace $0x80000050;
	s3 =	simm.s32 $0x1  }
0x4: {  	v1 =	vimm.s32 $0xFFFFFFFF;
	[sflag:s3] =	ssyncpa.u1 $0x0  }
0x5: {  	[tilespmem:$0x10] =	vst v1  }
0x6: {  	v0 =	vimm.f32 $0.0e+00;
	[tilespmem:$0x20] =	vst v1  }
0x7: {  	[tilespmem:$0x30] =	vst v0  }
0x8: {  	[tilespmem:$0x40] =	vst v0  }
0x9: {  	s31 =	simm.s32 $0x2;
	s5 =	simm.s32 $0x7;
	[tilespmem:$0x50] =	vst v0  }
0xa: {  	s7 =	simm.s32 $0x8;
	s10 =	simm.s32 $0x9;
	s13 =	simm.s32 $0x0;
	[tilespmem:$0x60] =	vst v1  }
0xb: {  	s14 =	simm.s32 $0x100;
	s15 =	simm.s32 $0x130;
	s16 =	simm.s32 $0x150;
	[tilespmem:$0x70] =	vst v1  }
0xc: {  	s17 =	simm.s32 $0xF;
	s18 =	simm.s32 $0x30;
	s19 =	simm.s32 $0x0;
	[tilespmem:$0x80] =	vst v1  }
0xd: {  	s20 =	simm.s32 $0x0;
	s23 =	simm.s32 $0x0;
	s3 =	sadd.s32 $0x200, s2;
	v1 =	vimm.s32 $0x0;
	[tilespmem:$0xB0] =	vst v0  }
.Ltmp0:
0xe: {  	s4 =	sadd.s32 $0x400, s2;
	s2 =	stileid.u32;
	[tilespmem:$0x90] =	vst v1;
	(pc) =	sbr.rel .LBB2_1-.Ltmp0, $4  }
0xf: {  	s21 =	simm.s32 $0x0;
	s6 =	sshll.u32 s2, $0x4;
	[tilespmem:$0xA0] =	vst v1;
	[sflag:s31] =	ssyncpa.u1 $0x0  }
0x10: {  	s8 =	sshll.u32 s2, $0x1;
	s11 =	sshllo.u32 s2, $0x1;
	[sflag:s5] =	ssyncpa.u1 $0x0  }
0x11: {  	vm0 =	vmmov $0xffff;
	s9 =	sadd.s32 $0x10, s6;
	s12 =	sor.u32 $0x80, s8;
	[sflag:s7] =	ssyncpa.u1 $0x0  }
0x12: {  	v2 =	vlaneseq.u32;
	vm1 =	vmxor vm1, vm1;
	vm2 =	vmmov $0x1;
	s22 =	smov.u32 s6;
	[sflag:s10] =	ssyncpa.u1 $0x0;
	s10 =	sor.u32 $0x81, s8  }
.LBB2_7:
0x13: {  	_ =	swait.ge [sflag:s5], $0x10  }
0x14: {  	[sflag:s5] =	ssyncset.done $0x0  }
0x15: {  	[sflag:s5] =	ssyncadd.s32 $0xFFFFFFF0;
	(ifvalue) =	ssetifvalue $0xFFFFFFFF;
	v3 =	vld.msk [tilespmem:s14+$0x0 ss:$0x1], $0xffff;
	_ =	sdelay $0x4  }
0x16: {  	v4 =	vshrl.u32 v3, $0x8;
	vm3 =	veq.s32 v3, $0x80000000;
	v3 =	vand.u32 $0xFF, v3  }
0x17: {  	v4 =	vand.u32 $0xFF, v4;
	v3 =	vsel vm3, $0xFFFFFFFF, v3  }
0x18: {  	v4 =	vsel vm3, $0xFFFFFFFF, v4;
	v6 =	vshll.u32 v3, $0x8  }
0x19: {  	v3 =	vshll.u32 v3, $0x7;
	v5 =	vand.u32 $0x7F, v4;
	v4 =	vshll.u32 v4, $0x3  }
0x1a: {  	v6 =	vand.u32 $0xFFFFF800, v6;
	v3 =	vand.u32 $0x380, v3;
	v4 =	vand.u32 $0xFFFFFC00, v4  }
0x1b: {  	v3 =	vor.u32 v5, v3;
	v4 =	vadd.s32 v6, v4  }
0x1c: {  	v3 =	vor.u32 v4, v3  }
0x1d: {  	v59 =	vperm.xlane v3, v1  }
0x1e: {  	vm3 =	vlt.u32 v4, $0x10000  }
0x1f: {  	v3 =	vnsel vm3, $0xFFFFFFFE, v3;
	vm3 =	vlt.u32 v59, $0x10000  }
0x20: {  	[tilespmem:$0x70] =	vst v3;
	v3 =	vnsel vm3, $0xFFFFFFFE, v59  }
0x21: {  	[tilespmem:$0x80] =	vst v3  }
0x22: {  	v3 =	vld.msk [tilespmem:s14+$0x0 ss:$0x1], $0xffff;
	_ =	sdelay $0x4  }
0x23: {  	v60 =	vshrl.u32 v3, $0x8;
	vm3 =	veq.s32 v3, $0x80000000;
	v3 =	vand.u32 $0xFF, v3  }
0x24: {  	v4 =	vand.u32 $0xFF, v60;
	v3 =	vsel vm3, $0xFFFFFFFF, v3  }
0x25: {  	v4 =	vsel vm3, $0xFFFFFFFF, v4;
	v62 =	vshll.u32 v3, $0x8  }
0x26: {  	v3 =	vshll.u32 v3, $0x7;
	v61 =	vand.u32 $0x7F, v4;
	v4 =	vshll.u32 v4, $0x3  }
0x27: {  	v6 =	vand.u32 $0xFFFFF800, v62;
	v3 =	vand.u32 $0x380, v3;
	v4 =	vand.u32 $0xFFFFFC00, v4  }
0x28: {  	v3 =	vor.u32 v61, v3;
	v4 =	vadd.s32 v6, v4  }
0x29: {  	v3 =	vor.u32 v4, v3  }
0x2a: {  	(xrf1) =	vunique.msk.u32 $0xffff, v3;
	_ =	sdelay $0xd  }
0x2b: {  	v63, _, _ =	vpop (xrf1)  }
0x2c: {  	vm4 =	vne.s32 v3, $0xFFFFFFFF;
	vm3 =	veq.s32 v63, v2  }
0x2d: {  	vm5 =	vlt.u32 v4, $0x10000;
	vm3 =	vmand vm4, vm3  }
0x2e: {  	vm3 =	vmand vm5, vm3  }
0x2f: {  	v3 =	vnsel vm3, $0xFFFFFFFF, v3;
	_ =	sdelay $0x3  }
0x30: {  	s23 =	sshrl.u32 s23, $0x3;
	(ifvalue) =	ssetifvalue $0xFFFFFFFF  }
0x31: {  	[tilespmem:s15], [sflag:$0x8] =	stream.indirect_vreg.gather [hbm4b:s1+s13], $0x1, v3, vm0, $0x4038;
	v3 =	vnsel vm5, $0xFFFFFFFE, v3;
	[tilespmem:$0x1B0] =	vst v63  }
0x32: {  	s23 =	sadd.s32 s4, s23;
	[tilespmem:$0x100] =	vst v3  }
0x33: {  	[tilespmem:s16], [sflag:$0x8] =	stream.linear.gather [hbm:s23], $0x10, $0x38;
	[tilespmem:$0x1B0] =	vst v63  }
.LBB2_8:
0x34: {  	s23 =	sadd.s32 $0x10, s22  }
0x35: {  	s24 =	smov.u32 s6;
	s19 =	sadd.s32 $0x40, s19;
	p0 =	slt.s32 s23, s9  }
0x36: {  	s24 =	smov.u32 @p0 s23;
	p0 =	sne.s32 s19, $0x100  }
.Ltmp1:
0x37: {  	_ = 	snop;
	(pc) =	sbr.rel @!p0 .LBB2_9-.Ltmp1, $3  }
0x38: {  	_ =	sdelay $0x1  }
0x39: {  	s21 =	sadd.s32 $0x1, s21  }
0x3a: {  	s20 =	sadd.s32 $0x10, s20;
	s23 =	smov.u32 s22;
	s22 =	smov.u32 s24  }
.LBB2_1:
0x3b: {  	p0 =	seq.s32 s21, $0x1  }
.Ltmp2:
0x3c: {  	_ = 	snop;
	(pc) =	sbr.rel @p0 .LBB2_7-.Ltmp2, $1  }
0x3d: {  	_ =	sdelay $0x3  }
0x3e: {  	p0 =	sne.s32 s21, $0x0  }
.Ltmp3:
0x3f: {  	_ = 	snop;
	(pc) =	sbr.rel @p0 .LBB2_4-.Ltmp3, $1  }
0x40: {  	_ =	sdelay $0x3  }
.Ltmp4:
0x41: {  	(pc) =	sbr.rel .LBB2_8-.Ltmp4, $4  }
0x42: {  	_ = 	snop  }
0x43: {  	s23 =	sshrl.u32 s22, $0x3  }
0x44: {  	s24 =	sand.u32 $0x7, s22;
	s23 =	sadd.s32 s3, s23  }
0x45: {  	[tilespmem:s14], [sflag:$0x7] =	stream.linear.gather [hbm4b:s23+s24], $0x10, $0x38;
	[tilespmem:$0x1B0] =	vst v63  }
.LBB2_4:
0x46: {  	p0 =	seq.s32 s19, $0xC0  }
.Ltmp5:
0x47: {  	_ = 	snop;
	(pc) =	sbr.rel @p0 .LBB2_6-.Ltmp5, $1  }
0x48: {  	_ =	sdelay $0x3  }
0x49: {  	p0 =	sne.s32 s19, $0x80;
	_ =	swait.ge [sflag:s7], $0x20  }
0x4a: {  	[sflag:s7] =	ssyncset.done $0x0;
	s23 =	sshra.s32 @!p0 s19, $0x2  }
0x4b: {  	s24 =	simm.s32 @!p0 $0x1;
	[sflag:s7] =	ssyncadd.s32 $0xFFFFFFE0;
	s23 =	sadd.s32 @!p0 $0xEF, s23  }
0x4c: {  	[spmem:s10] =	stream.linear.scatter @!p0 [tilespmem:s23], [sflag:$0x1], $0x1, $0x38;
	[tilespmem:$0x1B0] =	vst v63  }
0x4d: {  	_ =	swait.ge @!p0 [sflag:s24], $0x1  }
0x4e: {  	[sflag:s24] =	ssyncset.done @!p0 $0x0  }
0x4f: {  	s23 =	sand.u32 $0x10, s20;
	[sflag:s24] =	ssyncadd.s32 @!p0 $0xFFFFFFFF  }
0x50: {  	s26 =	sxor.u32 $0x10, s23;
	v3 =	vld [tilespmem:s23+$0x10]  }
0x51: {  	v4 =	vld [tilespmem:s26+$0x60]  }
0x52: {  	v5 =	vld [tilespmem:$0x80];
	_ =	sdelay $0x2  }
0x53: {  	(v2sf) =	vpush v3, $0x0  }
0x54: {  	(v2sf) =	vpush v4, $0x0  }
0x55: {  	(v2sf) =	vpush v5, $0x0;
	_ =	sdelay $0xc  }
0x56: {  	s28 =	spop (v2sf)  }
0x57: {  	s29 =	spop (v2sf)  }
0x58: {  	s25 =	spop (v2sf)  }
0x59: {  	p1 =	seq.s32 s28, s29;
	p2 =	seq.s32 s25, s28  }
0x5a: {  	p2 =	por p1, p2  }
0x5b: {  	v3 =	vpsel p2, $0xFFFFFFFF, v3  }
0x5c: {  	v56 =	vld [tilespmem:s23+$0x150];
	[tilespmem:s23+$0x10] =	vst.msk $0x1, v3  }
0x5d: {  	v3 =	vld [tilespmem:$0x30]  }
0x5e: {  	v6 =	vld [tilespmem:s23+$0x40];
	_ =	sdelay $0x3  }
0x5f: {  	vm3 =	vmmov vm1;
	v4 =	vadd.f32 v56, v3  }
0x60: {  	vm4 =	vmmov vm2;
	vm3 =	vmmov @p1 vm2;
	v3 =	vadd.f32 v6, v3  }
0x61: {  	vm4 =	vmmov @p2 vm1;
	[tilespmem:s23+$0x150] =	vst.msk vm3, v4  }
0x62: {  	[tilespmem:s23+$0x190] =	vst.msk vm4, v3  }
0x63: {  	v3 =	vld [tilespmem:s23+$0x130];
	_ =	sdelay $0x4  }
0x64: {  	v3 =	vshift.insert v3, v0, s17  }
0x65: {  	s29 =	sor.u32 $0x40, s26  }
0x66: {  	[tilespmem:s29+$0x0] =	vst.msk $0x1, v3  }
0x67: {  	s30 =	sshra.s32 s19, $0x2;
	[tilespmem:s23+$0x13F] =	vst.msk $0x1, v0  }
0x68: {  	v3 =	vld [tilespmem:s30+$0xE0];
	_ =	sdelay $0x4  }
0x69: {  	v3 =	vshift.insert v3, v1, s17;
	_ =	sdelay $0x1  }
0x6a: {  	[tilespmem:s26+$0x10] =	vst.msk $0x1, v3  }
0x6b: {  	v4 =	vld [tilespmem:s23+$0x150]  }
0x6c: {  	v57 =	vld [tilespmem:s30+$0xE0];
	_ =	sdelay $0x3  }
0x6d: {  	v4 =	vadd.f32 $0.0e+00, v4  }
0x6e: {  	vm3 =	vne.s32 v57, $0xFFFFFFFF  }
0x6f: {  	(xrf2) =	vadd.seg.scan.f32 vm3, v4;
	_ =	sdelay $0x3  }
0x70: {  	v58 =	vperm.xlane v3, v1  }
0x71: {  	v7 =	vld [tilespmem:s23+$0x130]  }
0x72: {  	vm14 =	veq.s32 v57, v58;
	vm3 =	veq.s32 v57, v5  }
0x73: {  	vm5 =	vgt.u32 v57, $0xFFFFFFFD;
	vm4 =	vmor vm14, vm3  }
0x74: {  	vm4 =	vmor vm4, vm5  }
0x75: {  	v59 =	vsel vm4, $0xFFFFFFFF, v57  }
0x76: {  	v61 =	vsel vm3, $0x0, v7;
	v60, _, _ =	vpop (xrf2)  }
0x77: {  	v6 =	vadd.f32 v60, v61  }
0x78: {  	v62 =	vld [tilespmem:$0xA0]  }
0x79: {  	s31 =	sadd.s32 $0x170, s23;
	v8 =	vld [tilespmem:$0x90];
	[tilespmem:s23+$0x170] =	vst v6;
	(ifvalue) =	ssetifvalue $0xFFFFFFFF  }
0x7a: {  	[hbm4b:s1+s13] =	stream.indirect_vreg.scatter [tilespmem:s31], [sflag:$0x2], $0x1, v59, vm0, $0x4038;
	[tilespmem:$0x1B0] =	vst v63  }
0x7b: {  	v4 =	vld [tilespmem:s23+$0x170];
	_ =	sdelay $0x4  }
0x7c: {  	v4 =	vshift.insert v4, v0, s17  }
0x7d: {  	vm15 =	veq.s32 v62, $0x1  }
0x7e: {  	vm4 =	vmor vm15, vm3;
	v5 =	vsel vm3, v60, v8;
	[tilespmem:s18+$0x0] =	vst.msk $0x1, v4  }
0x7f: {  	v63 =	vsel vm4, $0x1, v1;
	[tilespmem:$0x90] =	vst v5  }
0x80: {  	s26 =	sadd.s32 @!p0 $0x17F, s23;
	[tilespmem:$0xA0] =	vst v63  }
0x81: {  	[spmem:s11] =	stream.linear.scatter @!p0 [tilespmem:s26], [sflag:$0x1], $0x1, $0x38;
	[tilespmem:$0x1B0] =	vst v63  }
0x82: {  	v4 =	vmctz.xlane @!p0 vm4;
	_ =	swait.ge @!p0 [sflag:s24], $0x1  }
0x83: {  	(v2sf) =	vpush @!p0 v3, $0x0  }
0x84: {  	(v2sf) =	vpush @!p0 v4, $0x0;
	_ =	sdelay $0xd  }
0x85: {  	s26 =	spop @!p0 (v2sf)  }
0x86: {  	s28 =	spop @!p0 (v2sf)  }
0x87: {  	p1 =	sne.s32 @!p0 s25, s26;
	p2 =	slt.s32 @!p0 s28, $0xF  }
0x88: {  	[sflag:s24] =	ssyncset.done @!p0 $0x0;
	p1 =	por p1, p0;
	p2 =	por !p2, p0  }
0x89: {  	[sflag:s24] =	ssyncadd.s32 @!p0 $0xFFFFFFFF;
	v3 =	vimm.s32 @!p1 $0xFFFFFFFF;
	s28 =	simm.s32 @p2 $0xF  }
0x8a: {  	[tilespmem:$0x80] =	vst @!p1 v3;
	s25 =	sadd.s32 @!p0 $0x90, s28  }
0x8b: {  	[spmem:s8] =	stream.linear.scatter @!p0 [tilespmem:s25], [sflag:$0x1], $0x1, $0x38;
	[tilespmem:$0x1B0] =	vst v63  }
0x8c: {  	_ =	swait.ge @!p0 [sflag:s24], $0x1  }
0x8d: {  	[sflag:s24] =	ssyncset.done @!p0 $0x0  }
0x8e: {  	s25 =	simm.s32 @!p0 $0x80;
	[sflag:s24] =	ssyncadd.s32 @!p0 $0xFFFFFFFF  }
0x8f: {  	[spmem:s12] =	stream.linear.scatter @!p0 [tilespmem:s25], [sflag:$0x1], $0x1, $0x38;
	[tilespmem:$0x1B0] =	vst v63  }
0x90: {  	_ =	swait.ge @!p0 [sflag:s24], $0x1  }
0x91: {  	[sflag:s24] =	ssyncset.done @!p0 $0x0  }
0x92: {  	[sflag:s24] =	ssyncadd.s32 @!p0 $0xFFFFFFFF;
	(ifvalue) =	ssetifvalue $0xFFFFFFFF;
	v3 =	vld [tilespmem:s23+$0x10];
	_ =	sdelay $0x3  }
.Ltmp6:
0x93: {  	_ = 	snop;
	(pc) =	sbr.rel .LBB2_8-.Ltmp6, $3  }
0x94: {  	_ =	sdelay $0x1  }
0x95: {  	s23 =	sadd.s32 $0x190, s23;
	(ifvalue) =	ssetifvalue $0xFFFFFFFF  }
0x96: {  	[hbm4b:s1+s13] =	stream.indirect_vreg.scatter [tilespmem:s23], [sflag:$0x9], $0x1, v3, vm0, $0x4038;
	[tilespmem:$0x1B0] =	vst v63  }
.LBB2_6:
0x97: {  	s3 =	simm.s32 $0x2  }
0x98: {  	_ =	swait.ge [sflag:s3], $0x10  }
0x99: {  	[sflag:s3] =	ssyncset.done $0x0  }
0x9a: {  	s31 =	simm.s32 $0x9;
	[sflag:s3] =	ssyncadd.s32 $0xFFFFFFF0  }
0x9b: {  	_ =	swait.ge [sflag:s31], $0x10  }
0x9c: {  	[sflag:s31] =	ssyncset.done $0x0  }
0x9d: {  	[sflag:s31] =	ssyncadd.s32 $0xFFFFFFF0  }
.LBB2_9:
0x9e: {  	_ =	sfence.sel $0x180000  }
0x9f: {  	s3 =	simm.s32 $0x7;
	[bflag:$0x0] =	sbarrier.arrive $0xFFFF  }
0xa0: {  	s26 =	simm.s32 $0x8;
	[sflag:s3] =	ssyncpa.u1 $0x1  }
0xa1: {  	s28 =	simm.s32 $0x9;
	[sflag:s26] =	ssyncpa.u1 $0x1  }
0xa2: {  	[sflag:s28] =	ssyncpa.u1 $0x1  }
0xa3: {  	_ =	sfence.stream.spmem  }
0xa4: {  	s29 =	simm.s32 $0x3;
	[bflag:$0x0] =	sbarrier.arrive $0xFFFF  }
0xa5: {  	s30 =	simm.s32 $0x4;
	[sflag:s29] =	ssyncpa.u1 $0x1  }
0xa6: {  	s31 =	simm.s32 $0x3C;
	[sflag:s30] =	ssyncpa.u1 $0x1  }
0xa7: {  	p0 =	sne.s32 s2, $0x0;
	[sflag:s31] =	ssyncpa.u1 $0x1  }
0xa8: {  	s0 =	simm.s32 @p0 $0x1;
	_ =	sfence @p0  }
0xa9: {  	[sflag:s0] =	ssyncpa.u1 @p0 $0x1;
	s0 =	simm.s32 @p0 $0x2  }
0xaa: {  	[sflag:s0] =	ssyncpa.u1 @p0 $0x1  }
0xab: {  	_ =	strace @p0 $0x90000050  }
0xac: {  	[bflag:$0x2] =	sbarrier.arrive @p0 $0xFFFF  }
0xad: {  	_ =	shalt @p0  }
.LBB2_10:
0xae: {  	_ =	sfence.stream.spmem;
	s4 =	simm.s32 $0x5  }
0xaf: {  	s2 =	simm.s32 $0x80;
	s3 =	simm.s32 $0xC0;
	[sflag:s4] =	ssyncpa.u1 $0x0  }
0xb0: {  	[tilespmem:s3], [sflag:$0x5] =	stream.linear.gather [spmem:s2], $0x20, $0x38;
	[tilespmem:$0x1B0] =	vst v63  }
0xb1: {  	s2 =	simm.s32 $0x0;
	s3 =	simm.s32 $0xE0  }
0xb2: {  	[tilespmem:s3], [sflag:$0x5] =	stream.linear.gather [spmem:s2], $0x20, $0x38;
	[tilespmem:$0x1B0] =	vst v63  }
.Ltmp7:
0xb3: {  	_ = 	snop;
	(pc) =	sbr.rel .LBB2_11-.Ltmp7, $4  }
0xb4: {  	_ =	swait.ge [sflag:s4], $0x40  }
0xb5: {  	[sflag:s4] =	ssyncset.done $0x0  }
0xb6: {  	s31 =	simm.s32 $0x6;
	[sflag:s4] =	ssyncadd.s32 $0xFFFFFFC0  }
0xb7: {  	s4 =	simm.s32 $0x0;
	[sflag:s31] =	ssyncpa.u1 $0x0  }
.LBB2_16:
0xb8: {  	p0 =	sgt.u32 s5, $0xFFFF  }
0xb9: {  	s6 =	sshrl.u32 @!p0 s5, $0x3  }
0xba: {  	s5 =	sand.u32 @!p0 $0x7, s5;
	s7 =	simm.s32 @!p0 $0xB0;
	s6 =	sadd.s32 @!p0 s1, s6  }
0xbb: {  	[tilespmem:s7], [sflag:$0x6] =	stream.linear.gather @!p0 [hbm4b:s6+s5], $0x1, $0x38;
	[tilespmem:$0x1B0] =	vst v63  }
0xbc: {  	s5 =	simm.s32 @!p0 $0x6  }
0xbd: {  	_ =	swait.ge @!p0 [sflag:s5], $0x1  }
0xbe: {  	[sflag:s5] =	ssyncset.done @!p0 $0x0  }
0xbf: {  	[sflag:s5] =	ssyncadd.s32 @!p0 $0xFFFFFFFF  }
0xc0: {  	v2 =	vmov @!p0 s4;
	v1 =	vld.msk @!p0 [tilespmem:$0xB0], $0x1;
	_ =	sdelay $0x3  }
0xc1: {  	s5 =	simm.s32 @!p0 $0xE0  }
0xc2: {  	[tilespmem:v2+s5+$0x0], v1 =	vst.idx.ret.add.f32.msk @!p0 $0x1, v1  }
0xc3: {  	[tilespmem:s2+$0xC0] =	vst.msk $0x1, v0  }
0xc4: {  	v0 =	vld.msk [tilespmem:s4+$0xE0], $0x1;
	_ =	sdelay $0x4  }
0xc5: {  	[tilespmem:s2+$0xE0] =	vst.msk $0x1, v0;
	s2 =	sadd.s32 $0x1, s2  }
.LBB2_18:
0xc6: {  	s4 =	sadd.s32 $0x1, s4  }
0xc7: {  	p0 =	sne.s32 s4, $0x20  }
.Ltmp8:
0xc8: {  	_ = 	snop;
	(pc) =	sbr.rel @!p0 .LBB2_19-.Ltmp8, $1  }
0xc9: {  	_ =	sdelay $0x3  }
.LBB2_11:
0xca: {  	v0 =	vld.msk [tilespmem:s4+$0xC0], $0x1;
	_ =	sdelay $0x4  }
0xcb: {  	(v2sf) =	vpush v0, $0x0;
	_ =	sdelay $0xe  }
0xcc: {  	s5 =	spop (v2sf)  }
0xcd: {  	p0 =	seq.s32 s5, $0xFFFFFFFF  }
.Ltmp9:
0xce: {  	_ = 	snop;
	(pc) =	sbr.rel @p0 .LBB2_18-.Ltmp9, $1  }
0xcf: {  	_ =	sdelay $0x3  }
0xd0: {  	p0 =	slt.s32 s2, $0x1  }
.Ltmp10:
0xd1: {  	_ = 	snop;
	(pc) =	sbr.rel @p0 .LBB2_16-.Ltmp10, $1  }
0xd2: {  	_ =	sdelay $0x3  }
0xd3: {  	s6 =	simm.s32 $0xC0;
	p0 =	por $0x0, $0x0  }
0xd4: {  	v1 =	vld.msk @!p0 [tilespmem:s6+$0x0], $0x1;
	_ =	sdelay $0x4  }
0xd5: {  	(v2sf) =	vpush @!p0 v1, $0x0;
	_ =	sdelay $0xd  }
0xd6: {  	p2 =	sne.s32 s2, $0x1  }
.Ltmp11:
0xd7: {  	s7 =	spop @!p0 (v2sf);
	(pc) =	sbr.rel @!p2 .LBB2_15-.Ltmp11, $4  }
0xd8: {  	p1 =	seq.s32 @!p0 s5, s7  }
0xd9: {  	s7 =	simm.s32 $0x0;
	p1 =	por !p1, p0  }
0xda: {  	s9 =	simm.s32 $0xFFFFFFFF;
	s7 =	simm.s32 @p1 $0xFFFFFFFF  }
0xdb: {  	s8 =	simm.s32 $0x1;
	s7 =	smov.u32 @p0 s9  }
.LBB2_14:
0xdc: {  	s9 =	smov.u32 s7;
	p0 =	sne.s32 s7, $0xFFFFFFFF  }
0xdd: {  	s6 =	sadd.s32 $0x1, s6;
	s7 =	smov.u32 s8;
	s8 =	sadd.s32 $0x1, s8  }
0xde: {  	p1 =	sne.s32 s2, s8;
	v1 =	vld.msk @!p0 [tilespmem:s6+$0x0], $0x1;
	_ =	sdelay $0x4  }
0xdf: {  	(v2sf) =	vpush @!p0 v1, $0x0;
	_ =	sdelay $0xe  }
.Ltmp12:
0xe0: {  	s10 =	spop @!p0 (v2sf);
	(pc) =	sbr.rel @p1 .LBB2_14-.Ltmp12, $4  }
0xe1: {  	p2 =	seq.s32 @!p0 s5, s10  }
0xe2: {  	p2 =	por !p2, p0  }
0xe3: {  	s7 =	simm.s32 @p2 $0xFFFFFFFF  }
0xe4: {  	s7 =	smov.u32 @p0 s9  }
.LBB2_15:
0xe5: {  	p0 =	sne.s32 s7, $0xFFFFFFFF  }
.Ltmp13:
0xe6: {  	_ = 	snop;
	(pc) =	sbr.rel @!p0 .LBB2_16-.Ltmp13, $1  }
0xe7: {  	_ =	sdelay $0x3  }
0xe8: {  	v0 =	vld.msk [tilespmem:s4+$0xE0], $0x1;
	v1 =	vmov s7  }
.Ltmp14:
0xe9: {  	_ = 	snop;
	(pc) =	sbr.rel .LBB2_18-.Ltmp14, $2  }
0xea: {  	_ =	sdelay $0x2  }
0xeb: {  	[tilespmem:v1+s3+$0x0], v0 =	vst.idx.ret.add.f32.msk $0x1, v0  }
.LBB2_19:
0xec: {  	p0 =	slt.s32 s2, $0x1  }
.Ltmp15:
0xed: {  	_ = 	snop;
	(pc) =	sbr.rel @p0 .LBB2_23-.Ltmp15, $3  }
0xee: {  	_ =	sdelay $0x1  }
0xef: {  	s3 =	simm.s32 $0x6  }
0xf0: {  	[sflag:s3] =	ssyncpa.u1 $0x1;
	s3 =	simm.s32 $0x0  }
0xf1: {  	s4 =	simm.s32 $0xC0  }
0xf2: {  	v0 =	vld.msk [tilespmem:s4+$0x0], $0x1;
	_ =	sdelay $0x4  }
0xf3: {  	(v2sf) =	vpush v0, $0x0;
	_ =	sdelay $0xe  }
0xf4: {  	s2 =	sadd.s32 $0xFFFFFFFF, s2;
	s5 =	spop (v2sf)  }
0xf5: {  	p1 =	sne.s32 s2, $0x0;
	p0 =	sgt.u32 s5, $0xFFFF  }
.Ltmp16:
0xf6: {  	s6 =	sshrl.u32 @!p0 s5, $0x3;
	(pc) =	sbr.rel @!p1 .LBB2_22-.Ltmp16, $4  }
0xf7: {  	s4 =	simm.s32 $0xE0;
	s5 =	sand.u32 @!p0 $0x7, s5;
	s6 =	sadd.s32 @!p0 s1, s6  }
0xf8: {  	[hbm4b:s6+s5] =	stream.linear.scatter @!p0 [tilespmem:s4], [sflag:$0x5], $0x1, $0x38;
	[tilespmem:$0x1B0] =	vst v63  }
0xf9: {  	s6 =	simm.s32 $0x0  }
0xfa: {  	s5 =	simm.s32 $0xC1;
	s6 =	simm.s32 @!p0 $0x4  }
.LBB2_21:
0xfb: {  	v0 =	vld.msk [tilespmem:s5+$0x0], $0x1;
	s2 =	sadd.s32 $0xFFFFFFFF, s2;
	s3 =	sadd.s32 s3, s6  }
0xfc: {  	p0 =	sne.s32 s2, $0x0;
	_ =	sdelay $0x3  }
0xfd: {  	(v2sf) =	vpush v0, $0x0;
	_ =	sdelay $0xe  }
.Ltmp17:
0xfe: {  	s7 =	spop (v2sf);
	(pc) =	sbr.rel @p0 .LBB2_21-.Ltmp17, $4  }
0xff: {  	s6 =	simm.s32 $0x0;
	p1 =	sgt.u32 s7, $0xFFFF  }
0x100: {  	s4 =	sadd.s32 $0x1, s4;
	s6 =	simm.s32 @!p1 $0x4;
	s8 =	sshrl.u32 @!p1 s7, $0x3  }
0x101: {  	s5 =	sadd.s32 $0x1, s5;
	s7 =	sand.u32 @!p1 $0x7, s7;
	s8 =	sadd.s32 @!p1 s1, s8  }
0x102: {  	[hbm4b:s8+s7] =	stream.linear.scatter @!p1 [tilespmem:s4], [sflag:$0x5], $0x1, $0x38;
	[tilespmem:$0x1B0] =	vst v63  }
.LBB2_22:
0x103: {  	s1 =	sadd.s32 s3, s6  }
0x104: {  	s3 =	sshrl.u32 s1, $0x2  }
.LBB2_23:
0x105: {  	s1 =	simm.s32 $0x5  }
0x106: {  	_ =	swait.ge [sflag:s1], s3  }
0x107: {  	s2 =	ssub.s32 $0x0, s3;
	[sflag:s1] =	ssyncset.done $0x0  }
0x108: {  	[sflag:s1] =	ssyncadd.s32 s2  }
0x109: {  	[sflag:s1] =	ssyncpa.u1 $0x1  }
0x10a: {  	s30 =	simm.s32 $0x1;
	_ =	sfence  }
0x10b: {  	s31 =	simm.s32 $0x2;
	[sflag:s30] =	ssyncpa.u1 $0x1  }
0x10c: {  	[sflag:s31] =	ssyncpa.u1 $0x1  }
0x10d: {  	_ =	strace $0x90000050  }
0x10e: {  	s0 =	sadd.s32 $0x100000, s0;
	[bflag:$0x2] =	sbarrier.arrive $0xFFFF  }
0x10f: {  	[sflag:s0] =	ssyncadd.tile.s32 $0x1;
	_ =	shalt  }
.Lfunc_end2:
_tile_overlayer_lowered:
.L_overlay_start_2:
0x110: {  	(tag) =	ssettag $0x2  }
0x111: {  	s0 =	rddreg [dreg:$0x0];
	s2 =	stileid.u32  }
0x112: {  	s1 =	rddreg [dreg:$0x1];
	p0 =	sne.s32 s2, $0x0  }
0x113: {  	s3 =	rddreg [dreg:$0x2];
	[bflag:$0x3] =	sbarrier.arrive $0xFFFF;
	s2 =	simm.s32 @!p0 $0x1C01  }
0x114: {  	[timem:s3], [sflag:s2] =	dma.local @!p0 [hbm:s0], s1  }
0x115: {  	s0 =	simm.s32 @!p0 $0x1  }
0x116: {  	_ =	swait.ge @!p0 [sflag:s0], s1  }
0x117: {  	s1 =	ssub.s32 @!p0 $0x0, s1;
	[sflag:s0] =	ssyncset.done @!p0 $0x0  }
0x118: {  	[sflag:s0] =	ssyncadd.s32 @!p0 s1  }
0x119: {  	[bflag:$0x3] =	sbarrier.arrive $0xFFFF  }
0x11a: {  	_ =	shalt  }

// kernel: scatter_offload_async_start
scs
__scs_entry_jumppad:
0x0: {  	(pc) =	sbr.rel $0x88, $3  }
0x1: {  	(tag) =	ssettag $0x0;
	lr =	simm.s32 $0x1  }
0x2: {  	[smem:$0x3F8E] =	sst lr;
	_ =	strace $0xD0000000  }
0x3: {  	_ = 	snop  }
0x4: {  	_ = 	snop  }
0x5: {  	_ = 	snop  }
0x6: {  	_ = 	snop  }
0x7: {  	_ = 	snop  }
__scs_overlays_trampoline_lowered:
0x8: {  	[smem:$0x3F9D] =	sst s0  }
0x9: {  	[smem:$0x3F9E] =	sst s1  }
0xa: {  	[smem:$0x3F9F] =	sst s2  }
0xb: {  	[smem:$0x3FA0] =	sst s3  }
0xc: {  	[smem:$0x3FA1] =	sst s4  }
0xd: {  	[smem:$0x3FA2] =	sst s5  }
0xe: {  	[smem:$0x3FA3] =	sst s6  }
0xf: {  	[smem:$0x3FA4] =	sst s7  }
0x10: {  	[smem:$0x3FA5] =	sst s8  }
0x11: {  	[smem:$0x3FA6] =	sst s9;
	s0 =	simm.s32 @!p0 $0x0  }
0x12: {  	s1 =	sld [smem:$0x3F8C];
	s0 =	simm.s32 @p0 $0x1  }
0x13: {  	[smem:$0x3FA7] =	sst s0;
	s0 =	simm.s32 @!p1 $0x0  }
0x14: {  	s2 =	sld [smem:$0x3F8B];
	s0 =	simm.s32 @p1 $0x1  }
0x15: {  	[smem:$0x3FA8] =	sst s0;
	s0 =	simm.s32 @!p2 $0x0  }
0x16: {  	s3 =	sld [smem:$0x3FDB];
	s0 =	simm.s32 @p2 $0x1  }
0x17: {  	s4 =	simm.s32 $0x1BF5;
	[smem:$0x3FAA] =	sst s0  }
0x18: {  	s0 =	sld [smem:$0x3F8D];
	_ =	swait.ge [sflag:s4], $0x0  }
0x19: {  	s7 =	sld [smem:$0x3F8E]  }
0x1a: {  	s8 =	sadd.s32 $0xFFFFE003, lr  }
0x1b: {  	s9 =	sadd.s32 $0xFFFFFEF7, lr;
	s5 =	simm.s32 $0xFFFFFFFF;
	p2 =	slt.u32 s8, $0xFFFFF086  }
0x1c: {  	p1 =	slt.u32 s9, $0xF7A;
	s5 =	simm.s32 @!p2 $0x0  }
0x1d: {  	s5 =	simm.s32 @p1 $0x1;
	p0 =	seq.s32 s7, s2  }
0x1e: {  	s7 =	smul.u32 @!p0 $0xF7A, s2;
	p2 =	seq.s32 @!p0 s5, $0x0  }
0x1f: {  	s9 =	smul.u32 $0xF7A, s1;
	s8 =	simm.s32 @!p0 $0x1BF5;
	p2 =	por !p2, p0  }
0x20: {  	[sflag:s8] =	ssyncset.s32 @!p0 $0xFFFFF086;
	s6 =	sadd.s32 @!p0 s3, s7;
	s7 =	simm.s32 @!p0 $0x108  }
0x21: {  	s3 =	sadd.s32 s3, s9;
	s6 =	sadd.s32 @!p0 $0x88, s6;
	s7 =	simm.s32 @p2 $0x1082  }
0x22: {  	[simem:s7], [sflag:s8] =	dma.local @!p0 [hbm:s6], $0xF7A  }
0x23: {  	s9 =	sor.u32 $0xD0000000, s2;
	s6 =	simm.s32 $0x108;
	_ =	swait.ge @!p0 [sflag:s8], $0x0  }
0x24: {  	s3 =	sadd.s32 $0x88, s3;
	s6 =	simm.s32 @!p1 $0x1082;
	[sflag:s4] =	ssyncset.s32 $0xFFFFF086  }
0x25: {  	[simem:s6], [sflag:s4] =	dma.local [hbm:s3], $0xF7A  }
0x26: {  	[smem:$0x3F8E] =	sst s1;
	(tag) =	ssettag s2;
	_ =	strace s9  }
0x27: {  	s1 =	sld [smem:$0x3F9E]  }
0x28: {  	s2 =	sld [smem:$0x3F9F]  }
0x29: {  	s4 =	sld [smem:$0x3FA1]  }
0x2a: {  	p0 =	seq.s32 s5, $0x0;
	s5 =	sld [smem:$0x3FA2]  }
0x2b: {  	s6 =	sld [smem:$0x3FA3]  }
0x2c: {  	s7 =	sld [smem:$0x3FA4]  }
0x2d: {  	s3 =	simm.s32 $0x108;
	s8 =	sld [smem:$0x3FA5]  }
0x2e: {  	s3 =	simm.s32 @!p0 $0x1082;
	s9 =	sld [smem:$0x3FA6]  }
0x2f: {  	lr =	sadd.s32 s0, s3;
	s0 =	sld [smem:$0x3F9D]  }
0x30: {  	s3 =	sld [smem:$0x3FA0]  }
0x31: {  	[smem:$0x3FA9] =	sst s10  }
0x32: {  	s10 =	sld [smem:$0x3FA7];
	_ =	sdelay $0x3  }
0x33: {  	p0 =	seq.s32 s10, $0x1;
	s10 =	sld [smem:$0x3FA9];
	_ =	sdelay $0x3  }
0x34: {  	[smem:$0x3FA9] =	sst s10  }
0x35: {  	s10 =	sld [smem:$0x3FA8];
	_ =	sdelay $0x3  }
0x36: {  	p1 =	seq.s32 s10, $0x1;
	s10 =	sld [smem:$0x3FA9];
	_ =	sdelay $0x3  }
0x37: {  	[smem:$0x3FA9] =	sst s10  }
0x38: {  	s10 =	sld [smem:$0x3FAA]  }
0x39: {  	_ = 	snop;
	(pc) =	sbr.ind lr, $3  }
0x3a: {  	_ = 	snop  }
0x3b: {  	_ = 	snop  }
0x3c: {  	p2 =	seq.s32 s10, $0x1;
	s10 =	sld [smem:$0x3FA9]  }
0x3d: {  	_ =	shalt  }
0x3e: {  	_ =	shalt  }
0x3f: {  	_ =	shalt  }
0x40: {  	_ =	shalt  }
0x41: {  	_ =	shalt  }
0x42: {  	_ =	shalt  }
0x43: {  	_ =	shalt  }
0x44: {  	_ =	shalt  }
0x45: {  	_ =	shalt  }
0x46: {  	_ =	shalt  }
0x47: {  	_ =	shalt  }
0x48: {  	_ =	shalt  }
0x49: {  	_ =	shalt  }
0x4a: {  	_ =	shalt  }
0x4b: {  	_ =	shalt  }
0x4c: {  	_ =	shalt  }
0x4d: {  	_ =	shalt  }
0x4e: {  	_ =	shalt  }
0x4f: {  	_ =	shalt  }
0x50: {  	_ =	shalt  }
0x51: {  	_ =	shalt  }
0x52: {  	_ =	shalt  }
0x53: {  	_ =	shalt  }
0x54: {  	_ =	shalt  }
0x55: {  	_ =	shalt  }
0x56: {  	_ =	shalt  }
0x57: {  	_ =	shalt  }
0x58: {  	_ =	shalt  }
0x59: {  	_ =	shalt  }
0x5a: {  	_ =	shalt  }
0x5b: {  	_ =	shalt  }
0x5c: {  	_ =	shalt  }
0x5d: {  	_ =	shalt  }
0x5e: {  	_ =	shalt  }
0x5f: {  	_ =	shalt  }
0x60: {  	_ =	shalt  }
0x61: {  	_ =	shalt  }
0x62: {  	_ =	shalt  }
0x63: {  	_ =	shalt  }
0x64: {  	_ =	shalt  }
0x65: {  	_ =	shalt  }
0x66: {  	_ =	shalt  }
0x67: {  	_ =	shalt  }
0x68: {  	_ =	shalt  }
0x69: {  	_ =	shalt  }
0x6a: {  	_ =	shalt  }
0x6b: {  	_ =	shalt  }
0x6c: {  	_ =	shalt  }
0x6d: {  	_ =	shalt  }
0x6e: {  	_ =	shalt  }
0x6f: {  	_ =	shalt  }
0x70: {  	_ =	shalt  }
0x71: {  	_ =	shalt  }
0x72: {  	_ =	shalt  }
0x73: {  	_ =	shalt  }
0x74: {  	_ =	shalt  }
0x75: {  	_ =	shalt  }
0x76: {  	_ =	shalt  }
0x77: {  	_ =	shalt  }
0x78: {  	_ =	shalt  }
0x79: {  	_ =	shalt  }
0x7a: {  	_ =	shalt  }
0x7b: {  	_ =	shalt  }
0x7c: {  	_ =	shalt  }
0x7d: {  	_ =	shalt  }
0x7e: {  	_ =	shalt  }
0x7f: {  	_ =	shalt  }
0x80: {  	_ =	shalt  }
0x81: {  	_ =	shalt  }
0x82: {  	_ =	shalt  }
0x83: {  	_ =	shalt  }
0x84: {  	_ =	shalt  }
0x85: {  	_ =	shalt  }
0x86: {  	_ =	shalt  }
0x87: {  	_ =	shalt  }
.Lfunc_end0:
.L_simem_size_0:
called_computation_lowered:
.L_overlay_start_0:
0x88: {  	s0 =	sld [smem:$0x3FD9]  }
0x89: {  	s1 =	sld [smem:$0x3FFE];
	_ =	sdelay $0x3  }
0x8a: {  	s0 =	sadd.s32 s1, s0  }
0x8b: {  	[smem:$0x3FB5] =	sst s0  }
0x8c: {  	_ = 	snop  }
0x8d: {  	s0 =	sld [smem:$0x3FD0];
	_ =	sdelay $0x2  }
0x8e: {  	s14 =	simm.s32 $0xA;
	s2 =	simm.s32 $0x10  }
0x8f: {  	[smem:s2], [sflag:s14] =	dma.local [hbm:s0], $0x1  }
0x90: {  	_ =	swait.eq [sflag:s14], $0x1  }
0x91: {  	s15 =	sld [smem:$0x11];
	[sflag:s14] =	ssyncset.done $0x0  }
0x92: {  	s16 =	sld [smem:$0x12];
	[sflag:s14] =	ssyncadd.s32 $0xFFFFFFFF  }
0x93: {  	s17 =	sld [smem:$0x13];
	(tm) =	ssettm $0x1  }
0x94: {  	s3 =	sld [smem:$0x3FFB];
	_ =	sdelay $0x3  }
0x95: {  	_ =	strace s3  }
0x96: {  	s3 =	sld [smem:$0x3FFC];
	_ =	sdelay $0x3  }
0x97: {  	_ =	strace s3  }
0x98: {  	s3 =	sld [smem:$0x3FFD];
	_ =	sdelay $0x3  }
0x99: {  	_ =	strace s3  }
0x9a: {  	_ =	strace $0x8FFFFFFF  }
0x9b: {  	s18 =	sld [smem:$0x3FDB];
	_ =	sdelay $0x1  }
0x9c: {  	s4 =	simm.s32 $_scs_section_size  }
0x9d: {  	s5 =	simm.s32 $_size__tile_overlayer_lowered;
	s6 =	simm.s32 $_tile_overlayer_lowered  }
0x9e: {  	s21 =	simm.s32 $0x1BFF;
	s20 =	sshll.u32 s6, $0x1;
	s3 =	sadd.s32 s4, s18  }
0x9f: {  	s7 =	simm.s32 $0x0;
	s19 =	sshll.u32 s5, $0x1;
	s5 =	sadd.s32 s20, s3  }
0xa0: {  	[timem:s7], [sflag:s21] =	dma.local [hbm:s5], s19  }
0xa1: {  	_ =	swait.ge [sflag:s21], s19  }
0xa2: {  	s4 =	ssub.s32 $0x0, s19;
	[sflag:s21] =	ssyncset.done $0x0  }
0xa3: {  	[sflag:s21] =	ssyncadd.s32 s4;
	_ =	sdelay $0x1  }
0xa4: {  	s22 =	simm.s32 $0x1B8B  }
0xa5: {  	_ =	swait.ge [sflag:s22], $0x1  }
0xa6: {  	[sflag:s22] =	ssyncset.done $0x0  }
0xa7: {  	s23 =	simm.s32 $0x1B8E;
	[sflag:s22] =	ssyncadd.s32 $0xFFFFFFFF  }
0xa8: {  	s24 =	simm.s32 $execute0_lowered;
	[smem:$0x3FD2] =	sst s23  }
0xa9: {  	s4 =	sshll.u32 s24, $0x1;
	_ =	strace $0x80000046;
	[dreg:$0x1] =	wrdreg $0xFFFFFFFF  }
0xaa: {  	s25 =	simm.s32 $_size_execute0_lowered;
	s3 =	sadd.s32 s3, s4;
	[dreg:$0x0] =	wrdreg $0x0  }
0xab: {  	s4 =	sshll.u32 s25, $0x1;
	[dreg:$0x2] =	wrdreg s3  }
0xac: {  	[dreg:$0x3] =	wrdreg s4  }
0xad: {  	[dreg:$0x4] =	wrdreg $0xC0  }
0xae: {  	_ =	task [dreg:s7], $0x5FFFF  }
0xaf: {  	[dreg:$0x1] =	wrdreg $0xFFFFFFFF  }
0xb0: {  	[dreg:$0x0] =	wrdreg $0x60  }
0xb1: {  	[dreg:$0x2] =	wrdreg s15  }
0xb2: {  	[dreg:$0x3] =	wrdreg s17  }
0xb3: {  	[dreg:$0x4] =	wrdreg s16  }
0xb4: {  	[dreg:$0x5] =	wrdreg $0x9  }
0xb5: {  	_ =	task.clear_ibuf [dreg:s7], $0x6FFFF;
	_ =	strace $0x90000046  }
0xb6: {  	s26 =	simm.s32 $0x9;
	_ =	strace $0x80000048  }
0xb7: {  	_ =	swait.ge [sflag:s26], $0x1  }
0xb8: {  	[sflag:s26] =	ssyncadd.s32 $0xFFFFFFFF  }
0xb9: {  	_ =	strace $0x90000048  }
0xba: {  	_ =	sfence  }
0xbb: {  	s28 =	sld [smem:$0x0];
	_ =	sdelay $0x1  }
0xbc: {  	s29 =	srdreg.scid  }
0xbd: {  	s30 =	sshll.u32 s29, $0xD;
	s31 =	sshrl.u32 s29, $0x2  }
0xbe: {  	s1 =	sand.u32 $0x1, s29;
	s2 =	sand.u32 $0x4000, s30;
	s0 =	sadd.s32 s31, s28  }
0xbf: {  	s1 =	sor.u32 s2, s1;
	s0 =	sshll.u32 s0, $0x11  }
0xc0: {  	s0 =	sor.u32 s0, s1  }
0xc1: {  	s0 =	sadd.s32 $0x8F2B, s0  }
0xc2: {  	[sflag:s0] =	ssyncadd.remote.s32 $0x1  }
0xc3: {  	_ =	sfence.sel $0xFFFF  }
0xc4: {  	[dreg:$0x0] =	wrdreg $0xFFFFFFFF;
	(pc) =	sbr.abs _section_cstart, $3  }
0xc5: {  	[dreg:$0x1] =	wrdreg $0xFFFFFFFF  }
0xc6: {  	_ =	task.clear_ibuf [dreg:s7], $0x2FFFF;
	_ =	strace $0x9FFFFFFF  }
0xc7: {  	(tm) =	ssettm $0x7FFFFFFF  }
tec
execute0_lowered:
.L_overlay_start_1:
0x0: {  	(tag) =	ssettag $0x1  }
0x1: {  	s1 =	rddreg [dreg:$0x0]  }
0x2: {  	s3 =	rddreg [dreg:$0x1]  }
0x3: {  	s4 =	rddreg [dreg:$0x2]  }
0x4: {  	s0 =	rddreg [dreg:$0x3];
	_ =	strace $0x80000047;
	s2 =	simm.s32 $0x1  }
0x5: {  	v1 =	vimm.s32 $0xFFFFFFFF;
	[sflag:s2] =	ssyncpa.u1 $0x0  }
0x6: {  	[tilespmem:$0x10] =	vst v1  }
0x7: {  	v0 =	vimm.f32 $0.0e+00;
	[tilespmem:$0x20] =	vst v1  }
0x8: {  	[tilespmem:$0x30] =	vst v0  }
0x9: {  	[tilespmem:$0x40] =	vst v0  }
0xa: {  	[tilespmem:$0x50] =	vst v0  }
0xb: {  	s31 =	simm.s32 $0x2;
	s5 =	simm.s32 $0x7;
	s7 =	simm.s32 $0x8;
	[tilespmem:$0x60] =	vst v1  }
0xc: {  	s10 =	simm.s32 $0x9;
	s13 =	simm.s32 $0x0;
	s14 =	simm.s32 $0x100;
	[tilespmem:$0x70] =	vst v1  }
0xd: {  	s15 =	simm.s32 $0x130;
	s16 =	simm.s32 $0x150;
	s17 =	simm.s32 $0xF;
	[tilespmem:$0x80] =	vst v1  }
0xe: {  	s18 =	simm.s32 $0x30;
	s19 =	simm.s32 $0x0;
	s20 =	simm.s32 $0x0;
	v1 =	vimm.s32 $0x0;
	[tilespmem:$0xB0] =	vst v0  }
.Ltmp0:
0xf: {  	s23 =	simm.s32 $0x0;
	s2 =	stileid.u32;
	[tilespmem:$0x90] =	vst v1;
	(pc) =	sbr.rel .LBB2_1-.Ltmp0, $4  }
0x10: {  	s21 =	simm.s32 $0x0;
	s6 =	sshll.u32 s2, $0x4;
	[tilespmem:$0xA0] =	vst v1;
	[sflag:s31] =	ssyncpa.u1 $0x0  }
0x11: {  	s8 =	sshll.u32 s2, $0x1;
	s11 =	sshllo.u32 s2, $0x1;
	[sflag:s5] =	ssyncpa.u1 $0x0  }
0x12: {  	vm0 =	vmmov $0xffff;
	s9 =	sadd.s32 $0x10, s6;
	s12 =	sor.u32 $0x80, s8;
	[sflag:s7] =	ssyncpa.u1 $0x0  }
0x13: {  	v2 =	vlaneseq.u32;
	vm1 =	vmxor vm1, vm1;
	vm2 =	vmmov $0x1;
	s22 =	smov.u32 s6;
	[sflag:s10] =	ssyncpa.u1 $0x0;
	s10 =	sor.u32 $0x81, s8  }
.LBB2_7:
0x14: {  	_ =	swait.ge [sflag:s5], $0x10  }
0x15: {  	[sflag:s5] =	ssyncset.done $0x0  }
0x16: {  	[sflag:s5] =	ssyncadd.s32 $0xFFFFFFF0;
	(ifvalue) =	ssetifvalue $0xFFFFFFFF;
	v3 =	vld.msk [tilespmem:s14+$0x0 ss:$0x1], $0xffff;
	_ =	sdelay $0x4  }
0x17: {  	v4 =	vshrl.u32 v3, $0x8;
	vm3 =	veq.s32 v3, $0x80000000;
	v3 =	vand.u32 $0xFF, v3  }
0x18: {  	v4 =	vand.u32 $0xFF, v4;
	v3 =	vsel vm3, $0xFFFFFFFF, v3  }
0x19: {  	v4 =	vsel vm3, $0xFFFFFFFF, v4;
	v6 =	vshll.u32 v3, $0x8  }
0x1a: {  	v3 =	vshll.u32 v3, $0x7;
	v5 =	vand.u32 $0x7F, v4;
	v4 =	vshll.u32 v4, $0x3  }
0x1b: {  	v6 =	vand.u32 $0xFFFFF800, v6;
	v3 =	vand.u32 $0x380, v3;
	v4 =	vand.u32 $0xFFFFFC00, v4  }
0x1c: {  	v3 =	vor.u32 v5, v3;
	v4 =	vadd.s32 v6, v4  }
0x1d: {  	v3 =	vor.u32 v4, v3  }
0x1e: {  	v59 =	vperm.xlane v3, v1  }
0x1f: {  	vm3 =	vlt.u32 v4, $0x10000  }
0x20: {  	v3 =	vnsel vm3, $0xFFFFFFFE, v3;
	vm3 =	vlt.u32 v59, $0x10000  }
0x21: {  	[tilespmem:$0x70] =	vst v3;
	v3 =	vnsel vm3, $0xFFFFFFFE, v59  }
0x22: {  	[tilespmem:$0x80] =	vst v3  }
0x23: {  	v3 =	vld.msk [tilespmem:s14+$0x0 ss:$0x1], $0xffff;
	_ =	sdelay $0x4  }
0x24: {  	v60 =	vshrl.u32 v3, $0x8;
	vm3 =	veq.s32 v3, $0x80000000;
	v3 =	vand.u32 $0xFF, v3  }
0x25: {  	v4 =	vand.u32 $0xFF, v60;
	v3 =	vsel vm3, $0xFFFFFFFF, v3  }
0x26: {  	v4 =	vsel vm3, $0xFFFFFFFF, v4;
	v62 =	vshll.u32 v3, $0x8  }
0x27: {  	v3 =	vshll.u32 v3, $0x7;
	v61 =	vand.u32 $0x7F, v4;
	v4 =	vshll.u32 v4, $0x3  }
0x28: {  	v6 =	vand.u32 $0xFFFFF800, v62;
	v3 =	vand.u32 $0x380, v3;
	v4 =	vand.u32 $0xFFFFFC00, v4  }
0x29: {  	v3 =	vor.u32 v61, v3;
	v4 =	vadd.s32 v6, v4  }
0x2a: {  	v3 =	vor.u32 v4, v3  }
0x2b: {  	(xrf1) =	vunique.msk.u32 $0xffff, v3;
	_ =	sdelay $0xd  }
0x2c: {  	v63, _, _ =	vpop (xrf1)  }
0x2d: {  	vm4 =	vne.s32 v3, $0xFFFFFFFF;
	vm3 =	veq.s32 v63, v2  }
0x2e: {  	vm5 =	vlt.u32 v4, $0x10000;
	vm3 =	vmand vm4, vm3  }
0x2f: {  	vm3 =	vmand vm5, vm3  }
0x30: {  	v3 =	vnsel vm3, $0xFFFFFFFF, v3;
	_ =	sdelay $0x3  }
0x31: {  	s23 =	sshrl.u32 s23, $0x3;
	(ifvalue) =	ssetifvalue $0xFFFFFFFF  }
0x32: {  	[tilespmem:s15], [sflag:$0x8] =	stream.indirect_vreg.gather [hbm4b:s1+s13], $0x1, v3, vm0, $0x4038;
	v3 =	vnsel vm5, $0xFFFFFFFE, v3;
	[tilespmem:$0x1B0] =	vst v63  }
0x33: {  	s23 =	sadd.s32 s4, s23;
	[tilespmem:$0x100] =	vst v3  }
0x34: {  	[tilespmem:s16], [sflag:$0x8] =	stream.linear.gather [hbm:s23], $0x10, $0x38;
	[tilespmem:$0x1B0] =	vst v63  }
.LBB2_8:
0x35: {  	s23 =	sadd.s32 $0x10, s22  }
0x36: {  	s24 =	smov.u32 s6;
	s19 =	sadd.s32 $0x40, s19;
	p0 =	slt.s32 s23, s9  }
0x37: {  	s24 =	smov.u32 @p0 s23;
	p0 =	sne.s32 s19, $0x100  }
.Ltmp1:
0x38: {  	_ = 	snop;
	(pc) =	sbr.rel @!p0 .LBB2_9-.Ltmp1, $3  }
0x39: {  	_ =	sdelay $0x1  }
0x3a: {  	s21 =	sadd.s32 $0x1, s21  }
0x3b: {  	s20 =	sadd.s32 $0x10, s20;
	s23 =	smov.u32 s22;
	s22 =	smov.u32 s24  }
.LBB2_1:
0x3c: {  	p0 =	seq.s32 s21, $0x1  }
.Ltmp2:
0x3d: {  	_ = 	snop;
	(pc) =	sbr.rel @p0 .LBB2_7-.Ltmp2, $1  }
0x3e: {  	_ =	sdelay $0x3  }
0x3f: {  	p0 =	sne.s32 s21, $0x0  }
.Ltmp3:
0x40: {  	_ = 	snop;
	(pc) =	sbr.rel @p0 .LBB2_4-.Ltmp3, $1  }
0x41: {  	_ =	sdelay $0x3  }
.Ltmp4:
0x42: {  	(pc) =	sbr.rel .LBB2_8-.Ltmp4, $4  }
0x43: {  	_ = 	snop  }
0x44: {  	s23 =	sshrl.u32 s22, $0x3  }
0x45: {  	s24 =	sand.u32 $0x7, s22;
	s23 =	sadd.s32 s3, s23  }
0x46: {  	[tilespmem:s14], [sflag:$0x7] =	stream.linear.gather [hbm4b:s23+s24], $0x10, $0x38;
	[tilespmem:$0x1B0] =	vst v63  }
.LBB2_4:
0x47: {  	p0 =	seq.s32 s19, $0xC0  }
.Ltmp5:
0x48: {  	_ = 	snop;
	(pc) =	sbr.rel @p0 .LBB2_6-.Ltmp5, $1  }
0x49: {  	_ =	sdelay $0x3  }
0x4a: {  	p0 =	sne.s32 s19, $0x80;
	_ =	swait.ge [sflag:s7], $0x20  }
0x4b: {  	[sflag:s7] =	ssyncset.done $0x0;
	s23 =	sshra.s32 @!p0 s19, $0x2  }
0x4c: {  	s24 =	simm.s32 @!p0 $0x1;
	[sflag:s7] =	ssyncadd.s32 $0xFFFFFFE0;
	s23 =	sadd.s32 @!p0 $0xEF, s23  }
0x4d: {  	[spmem:s10] =	stream.linear.scatter @!p0 [tilespmem:s23], [sflag:$0x1], $0x1, $0x38;
	[tilespmem:$0x1B0] =	vst v63  }
0x4e: {  	_ =	swait.ge @!p0 [sflag:s24], $0x1  }
0x4f: {  	[sflag:s24] =	ssyncset.done @!p0 $0x0  }
0x50: {  	s23 =	sand.u32 $0x10, s20;
	[sflag:s24] =	ssyncadd.s32 @!p0 $0xFFFFFFFF  }
0x51: {  	s26 =	sxor.u32 $0x10, s23;
	v3 =	vld [tilespmem:s23+$0x10]  }
0x52: {  	v4 =	vld [tilespmem:s26+$0x60]  }
0x53: {  	v5 =	vld [tilespmem:$0x80];
	_ =	sdelay $0x2  }
0x54: {  	(v2sf) =	vpush v3, $0x0  }
0x55: {  	(v2sf) =	vpush v4, $0x0  }
0x56: {  	(v2sf) =	vpush v5, $0x0;
	_ =	sdelay $0xc  }
0x57: {  	s28 =	spop (v2sf)  }
0x58: {  	s29 =	spop (v2sf)  }
0x59: {  	s25 =	spop (v2sf)  }
0x5a: {  	p1 =	seq.s32 s28, s29;
	p2 =	seq.s32 s25, s28  }
0x5b: {  	p2 =	por p1, p2  }
0x5c: {  	v3 =	vpsel p2, $0xFFFFFFFF, v3  }
0x5d: {  	v56 =	vld [tilespmem:s23+$0x150];
	[tilespmem:s23+$0x10] =	vst.msk $0x1, v3  }
0x5e: {  	v3 =	vld [tilespmem:$0x30]  }
0x5f: {  	v6 =	vld [tilespmem:s23+$0x40];
	_ =	sdelay $0x3  }
0x60: {  	vm3 =	vmmov vm1;
	v4 =	vadd.f32 v56, v3  }
0x61: {  	vm4 =	vmmov vm2;
	vm3 =	vmmov @p1 vm2;
	v3 =	vadd.f32 v6, v3  }
0x62: {  	vm4 =	vmmov @p2 vm1;
	[tilespmem:s23+$0x150] =	vst.msk vm3, v4  }
0x63: {  	[tilespmem:s23+$0x190] =	vst.msk vm4, v3  }
0x64: {  	v3 =	vld [tilespmem:s23+$0x130];
	_ =	sdelay $0x4  }
0x65: {  	v3 =	vshift.insert v3, v0, s17  }
0x66: {  	s29 =	sor.u32 $0x40, s26  }
0x67: {  	[tilespmem:s29+$0x0] =	vst.msk $0x1, v3  }
0x68: {  	s30 =	sshra.s32 s19, $0x2;
	[tilespmem:s23+$0x13F] =	vst.msk $0x1, v0  }
0x69: {  	v3 =	vld [tilespmem:s30+$0xE0];
	_ =	sdelay $0x4  }
0x6a: {  	v3 =	vshift.insert v3, v1, s17;
	_ =	sdelay $0x1  }
0x6b: {  	[tilespmem:s26+$0x10] =	vst.msk $0x1, v3  }
0x6c: {  	v4 =	vld [tilespmem:s23+$0x150]  }
0x6d: {  	v57 =	vld [tilespmem:s30+$0xE0];
	_ =	sdelay $0x3  }
0x6e: {  	v4 =	vadd.f32 $0.0e+00, v4  }
0x6f: {  	vm3 =	vne.s32 v57, $0xFFFFFFFF  }
0x70: {  	(xrf2) =	vadd.seg.scan.f32 vm3, v4;
	_ =	sdelay $0x3  }
0x71: {  	v58 =	vperm.xlane v3, v1  }
0x72: {  	v7 =	vld [tilespmem:s23+$0x130]  }
0x73: {  	vm14 =	veq.s32 v57, v58;
	vm3 =	veq.s32 v57, v5  }
0x74: {  	vm5 =	vgt.u32 v57, $0xFFFFFFFD;
	vm4 =	vmor vm14, vm3  }
0x75: {  	vm4 =	vmor vm4, vm5  }
0x76: {  	v59 =	vsel vm4, $0xFFFFFFFF, v57  }
0x77: {  	v61 =	vsel vm3, $0x0, v7;
	v60, _, _ =	vpop (xrf2)  }
0x78: {  	v6 =	vadd.f32 v60, v61  }
0x79: {  	v62 =	vld [tilespmem:$0xA0]  }
0x7a: {  	s31 =	sadd.s32 $0x170, s23;
	v8 =	vld [tilespmem:$0x90];
	[tilespmem:s23+$0x170] =	vst v6;
	(ifvalue) =	ssetifvalue $0xFFFFFFFF  }
0x7b: {  	[hbm4b:s1+s13] =	stream.indirect_vreg.scatter [tilespmem:s31], [sflag:$0x2], $0x1, v59, vm0, $0x4038;
	[tilespmem:$0x1B0] =	vst v63  }
0x7c: {  	v4 =	vld [tilespmem:s23+$0x170];
	_ =	sdelay $0x4  }
0x7d: {  	v4 =	vshift.insert v4, v0, s17  }
0x7e: {  	vm15 =	veq.s32 v62, $0x1  }
0x7f: {  	vm4 =	vmor vm15, vm3;
	v5 =	vsel vm3, v60, v8;
	[tilespmem:s18+$0x0] =	vst.msk $0x1, v4  }
0x80: {  	v63 =	vsel vm4, $0x1, v1;
	[tilespmem:$0x90] =	vst v5  }
0x81: {  	s26 =	sadd.s32 @!p0 $0x17F, s23;
	[tilespmem:$0xA0] =	vst v63  }
0x82: {  	[spmem:s11] =	stream.linear.scatter @!p0 [tilespmem:s26], [sflag:$0x1], $0x1, $0x38;
	[tilespmem:$0x1B0] =	vst v63  }
0x83: {  	v4 =	vmctz.xlane @!p0 vm4;
	_ =	swait.ge @!p0 [sflag:s24], $0x1  }
0x84: {  	(v2sf) =	vpush @!p0 v3, $0x0  }
0x85: {  	(v2sf) =	vpush @!p0 v4, $0x0;
	_ =	sdelay $0xd  }
0x86: {  	s26 =	spop @!p0 (v2sf)  }
0x87: {  	s28 =	spop @!p0 (v2sf)  }
0x88: {  	p1 =	sne.s32 @!p0 s25, s26;
	p2 =	slt.s32 @!p0 s28, $0xF  }
0x89: {  	[sflag:s24] =	ssyncset.done @!p0 $0x0;
	p1 =	por p1, p0;
	p2 =	por !p2, p0  }
0x8a: {  	[sflag:s24] =	ssyncadd.s32 @!p0 $0xFFFFFFFF;
	v3 =	vimm.s32 @!p1 $0xFFFFFFFF;
	s28 =	simm.s32 @p2 $0xF  }
0x8b: {  	[tilespmem:$0x80] =	vst @!p1 v3;
	s25 =	sadd.s32 @!p0 $0x90, s28  }
0x8c: {  	[spmem:s8] =	stream.linear.scatter @!p0 [tilespmem:s25], [sflag:$0x1], $0x1, $0x38;
	[tilespmem:$0x1B0] =	vst v63  }
0x8d: {  	_ =	swait.ge @!p0 [sflag:s24], $0x1  }
0x8e: {  	[sflag:s24] =	ssyncset.done @!p0 $0x0  }
0x8f: {  	s25 =	simm.s32 @!p0 $0x80;
	[sflag:s24] =	ssyncadd.s32 @!p0 $0xFFFFFFFF  }
0x90: {  	[spmem:s12] =	stream.linear.scatter @!p0 [tilespmem:s25], [sflag:$0x1], $0x1, $0x38;
	[tilespmem:$0x1B0] =	vst v63  }
0x91: {  	_ =	swait.ge @!p0 [sflag:s24], $0x1  }
0x92: {  	[sflag:s24] =	ssyncset.done @!p0 $0x0  }
0x93: {  	[sflag:s24] =	ssyncadd.s32 @!p0 $0xFFFFFFFF;
	(ifvalue) =	ssetifvalue $0xFFFFFFFF;
	v3 =	vld [tilespmem:s23+$0x10];
	_ =	sdelay $0x3  }
.Ltmp6:
0x94: {  	_ = 	snop;
	(pc) =	sbr.rel .LBB2_8-.Ltmp6, $3  }
0x95: {  	_ =	sdelay $0x1  }
0x96: {  	s23 =	sadd.s32 $0x190, s23;
	(ifvalue) =	ssetifvalue $0xFFFFFFFF  }
0x97: {  	[hbm4b:s1+s13] =	stream.indirect_vreg.scatter [tilespmem:s23], [sflag:$0x9], $0x1, v3, vm0, $0x4038;
	[tilespmem:$0x1B0] =	vst v63  }
.LBB2_6:
0x98: {  	s3 =	simm.s32 $0x2  }
0x99: {  	_ =	swait.ge [sflag:s3], $0x10  }
0x9a: {  	[sflag:s3] =	ssyncset.done $0x0  }
0x9b: {  	s31 =	simm.s32 $0x9;
	[sflag:s3] =	ssyncadd.s32 $0xFFFFFFF0  }
0x9c: {  	_ =	swait.ge [sflag:s31], $0x10  }
0x9d: {  	[sflag:s31] =	ssyncset.done $0x0  }
0x9e: {  	[sflag:s31] =	ssyncadd.s32 $0xFFFFFFF0  }
.LBB2_9:
0x9f: {  	_ =	sfence.sel $0x180000  }
0xa0: {  	s3 =	simm.s32 $0x7;
	[bflag:$0x0] =	sbarrier.arrive $0xFFFF  }
0xa1: {  	s26 =	simm.s32 $0x8;
	[sflag:s3] =	ssyncpa.u1 $0x1  }
0xa2: {  	s28 =	simm.s32 $0x9;
	[sflag:s26] =	ssyncpa.u1 $0x1  }
0xa3: {  	[sflag:s28] =	ssyncpa.u1 $0x1  }
0xa4: {  	_ =	sfence.stream.spmem  }
0xa5: {  	s29 =	simm.s32 $0x3;
	[bflag:$0x0] =	sbarrier.arrive $0xFFFF  }
0xa6: {  	s30 =	simm.s32 $0x4;
	[sflag:s29] =	ssyncpa.u1 $0x1  }
0xa7: {  	s31 =	simm.s32 $0x3C;
	[sflag:s30] =	ssyncpa.u1 $0x1  }
0xa8: {  	p0 =	sne.s32 s2, $0x0;
	[sflag:s31] =	ssyncpa.u1 $0x1  }
0xa9: {  	s0 =	simm.s32 @p0 $0x1;
	_ =	sfence @p0  }
0xaa: {  	[sflag:s0] =	ssyncpa.u1 @p0 $0x1;
	s0 =	simm.s32 @p0 $0x2  }
0xab: {  	[sflag:s0] =	ssyncpa.u1 @p0 $0x1  }
0xac: {  	_ =	strace @p0 $0x90000047  }
0xad: {  	[bflag:$0x2] =	sbarrier.arrive @p0 $0xFFFF  }
0xae: {  	_ =	shalt @p0  }
.LBB2_10:
0xaf: {  	_ =	sfence.stream.spmem;
	s4 =	simm.s32 $0x5  }
0xb0: {  	s2 =	simm.s32 $0x80;
	s3 =	simm.s32 $0xC0;
	[sflag:s4] =	ssyncpa.u1 $0x0  }
0xb1: {  	[tilespmem:s3], [sflag:$0x5] =	stream.linear.gather [spmem:s2], $0x20, $0x38;
	[tilespmem:$0x1B0] =	vst v63  }
0xb2: {  	s2 =	simm.s32 $0x0;
	s3 =	simm.s32 $0xE0  }
0xb3: {  	[tilespmem:s3], [sflag:$0x5] =	stream.linear.gather [spmem:s2], $0x20, $0x38;
	[tilespmem:$0x1B0] =	vst v63  }
.Ltmp7:
0xb4: {  	_ = 	snop;
	(pc) =	sbr.rel .LBB2_11-.Ltmp7, $4  }
0xb5: {  	_ =	swait.ge [sflag:s4], $0x40  }
0xb6: {  	[sflag:s4] =	ssyncset.done $0x0  }
0xb7: {  	s31 =	simm.s32 $0x6;
	[sflag:s4] =	ssyncadd.s32 $0xFFFFFFC0  }
0xb8: {  	s4 =	simm.s32 $0x0;
	[sflag:s31] =	ssyncpa.u1 $0x0  }
.LBB2_16:
0xb9: {  	p0 =	sgt.u32 s5, $0xFFFF  }
0xba: {  	s6 =	sshrl.u32 @!p0 s5, $0x3  }
0xbb: {  	s5 =	sand.u32 @!p0 $0x7, s5;
	s7 =	simm.s32 @!p0 $0xB0;
	s6 =	sadd.s32 @!p0 s1, s6  }
0xbc: {  	[tilespmem:s7], [sflag:$0x6] =	stream.linear.gather @!p0 [hbm4b:s6+s5], $0x1, $0x38;
	[tilespmem:$0x1B0] =	vst v63  }
0xbd: {  	s5 =	simm.s32 @!p0 $0x6  }
0xbe: {  	_ =	swait.ge @!p0 [sflag:s5], $0x1  }
0xbf: {  	[sflag:s5] =	ssyncset.done @!p0 $0x0  }
0xc0: {  	[sflag:s5] =	ssyncadd.s32 @!p0 $0xFFFFFFFF  }
0xc1: {  	v2 =	vmov @!p0 s4;
	v1 =	vld.msk @!p0 [tilespmem:$0xB0], $0x1;
	_ =	sdelay $0x3  }
0xc2: {  	s5 =	simm.s32 @!p0 $0xE0  }
0xc3: {  	[tilespmem:v2+s5+$0x0], v1 =	vst.idx.ret.add.f32.msk @!p0 $0x1, v1  }
0xc4: {  	[tilespmem:s2+$0xC0] =	vst.msk $0x1, v0  }
0xc5: {  	v0 =	vld.msk [tilespmem:s4+$0xE0], $0x1;
	_ =	sdelay $0x4  }
0xc6: {  	[tilespmem:s2+$0xE0] =	vst.msk $0x1, v0;
	s2 =	sadd.s32 $0x1, s2  }
.LBB2_18:
0xc7: {  	s4 =	sadd.s32 $0x1, s4  }
0xc8: {  	p0 =	sne.s32 s4, $0x20  }
.Ltmp8:
0xc9: {  	_ = 	snop;
	(pc) =	sbr.rel @!p0 .LBB2_19-.Ltmp8, $1  }
0xca: {  	_ =	sdelay $0x3  }
.LBB2_11:
0xcb: {  	v0 =	vld.msk [tilespmem:s4+$0xC0], $0x1;
	_ =	sdelay $0x4  }
0xcc: {  	(v2sf) =	vpush v0, $0x0;
	_ =	sdelay $0xe  }
0xcd: {  	s5 =	spop (v2sf)  }
0xce: {  	p0 =	seq.s32 s5, $0xFFFFFFFF  }
.Ltmp9:
0xcf: {  	_ = 	snop;
	(pc) =	sbr.rel @p0 .LBB2_18-.Ltmp9, $1  }
0xd0: {  	_ =	sdelay $0x3  }
0xd1: {  	p0 =	slt.s32 s2, $0x1  }
.Ltmp10:
0xd2: {  	_ = 	snop;
	(pc) =	sbr.rel @p0 .LBB2_16-.Ltmp10, $1  }
0xd3: {  	_ =	sdelay $0x3  }
0xd4: {  	s6 =	simm.s32 $0xC0;
	p0 =	por $0x0, $0x0  }
0xd5: {  	v1 =	vld.msk @!p0 [tilespmem:s6+$0x0], $0x1;
	_ =	sdelay $0x4  }
0xd6: {  	(v2sf) =	vpush @!p0 v1, $0x0;
	_ =	sdelay $0xd  }
0xd7: {  	p2 =	sne.s32 s2, $0x1  }
.Ltmp11:
0xd8: {  	s7 =	spop @!p0 (v2sf);
	(pc) =	sbr.rel @!p2 .LBB2_15-.Ltmp11, $4  }
0xd9: {  	p1 =	seq.s32 @!p0 s5, s7  }
0xda: {  	s7 =	simm.s32 $0x0;
	p1 =	por !p1, p0  }
0xdb: {  	s9 =	simm.s32 $0xFFFFFFFF;
	s7 =	simm.s32 @p1 $0xFFFFFFFF  }
0xdc: {  	s8 =	simm.s32 $0x1;
	s7 =	smov.u32 @p0 s9  }
.LBB2_14:
0xdd: {  	s9 =	smov.u32 s7;
	p0 =	sne.s32 s7, $0xFFFFFFFF  }
0xde: {  	s6 =	sadd.s32 $0x1, s6;
	s7 =	smov.u32 s8;
	s8 =	sadd.s32 $0x1, s8  }
0xdf: {  	p1 =	sne.s32 s2, s8;
	v1 =	vld.msk @!p0 [tilespmem:s6+$0x0], $0x1;
	_ =	sdelay $0x4  }
0xe0: {  	(v2sf) =	vpush @!p0 v1, $0x0;
	_ =	sdelay $0xe  }
.Ltmp12:
0xe1: {  	s10 =	spop @!p0 (v2sf);
	(pc) =	sbr.rel @p1 .LBB2_14-.Ltmp12, $4  }
0xe2: {  	p2 =	seq.s32 @!p0 s5, s10  }
0xe3: {  	p2 =	por !p2, p0  }
0xe4: {  	s7 =	simm.s32 @p2 $0xFFFFFFFF  }
0xe5: {  	s7 =	smov.u32 @p0 s9  }
.LBB2_15:
0xe6: {  	p0 =	sne.s32 s7, $0xFFFFFFFF  }
.Ltmp13:
0xe7: {  	_ = 	snop;
	(pc) =	sbr.rel @!p0 .LBB2_16-.Ltmp13, $1  }
0xe8: {  	_ =	sdelay $0x3  }
0xe9: {  	v0 =	vld.msk [tilespmem:s4+$0xE0], $0x1;
	v1 =	vmov s7  }
.Ltmp14:
0xea: {  	_ = 	snop;
	(pc) =	sbr.rel .LBB2_18-.Ltmp14, $2  }
0xeb: {  	_ =	sdelay $0x2  }
0xec: {  	[tilespmem:v1+s3+$0x0], v0 =	vst.idx.ret.add.f32.msk $0x1, v0  }
.LBB2_19:
0xed: {  	p0 =	slt.s32 s2, $0x1  }
.Ltmp15:
0xee: {  	_ = 	snop;
	(pc) =	sbr.rel @p0 .LBB2_23-.Ltmp15, $3  }
0xef: {  	_ =	sdelay $0x1  }
0xf0: {  	s3 =	simm.s32 $0x6  }
0xf1: {  	[sflag:s3] =	ssyncpa.u1 $0x1;
	s3 =	simm.s32 $0x0  }
0xf2: {  	s4 =	simm.s32 $0xC0  }
0xf3: {  	v0 =	vld.msk [tilespmem:s4+$0x0], $0x1;
	_ =	sdelay $0x4  }
0xf4: {  	(v2sf) =	vpush v0, $0x0;
	_ =	sdelay $0xe  }
0xf5: {  	s2 =	sadd.s32 $0xFFFFFFFF, s2;
	s5 =	spop (v2sf)  }
0xf6: {  	p1 =	sne.s32 s2, $0x0;
	p0 =	sgt.u32 s5, $0xFFFF  }
.Ltmp16:
0xf7: {  	s6 =	sshrl.u32 @!p0 s5, $0x3;
	(pc) =	sbr.rel @!p1 .LBB2_22-.Ltmp16, $4  }
0xf8: {  	s4 =	simm.s32 $0xE0;
	s5 =	sand.u32 @!p0 $0x7, s5;
	s6 =	sadd.s32 @!p0 s1, s6  }
0xf9: {  	[hbm4b:s6+s5] =	stream.linear.scatter @!p0 [tilespmem:s4], [sflag:$0x5], $0x1, $0x38;
	[tilespmem:$0x1B0] =	vst v63  }
0xfa: {  	s6 =	simm.s32 $0x0  }
0xfb: {  	s5 =	simm.s32 $0xC1;
	s6 =	simm.s32 @!p0 $0x4  }
.LBB2_21:
0xfc: {  	v0 =	vld.msk [tilespmem:s5+$0x0], $0x1;
	s2 =	sadd.s32 $0xFFFFFFFF, s2;
	s3 =	sadd.s32 s3, s6  }
0xfd: {  	p0 =	sne.s32 s2, $0x0;
	_ =	sdelay $0x3  }
0xfe: {  	(v2sf) =	vpush v0, $0x0;
	_ =	sdelay $0xe  }
.Ltmp17:
0xff: {  	s7 =	spop (v2sf);
	(pc) =	sbr.rel @p0 .LBB2_21-.Ltmp17, $4  }
0x100: {  	s6 =	simm.s32 $0x0;
	p1 =	sgt.u32 s7, $0xFFFF  }
0x101: {  	s4 =	sadd.s32 $0x1, s4;
	s6 =	simm.s32 @!p1 $0x4;
	s8 =	sshrl.u32 @!p1 s7, $0x3  }
0x102: {  	s5 =	sadd.s32 $0x1, s5;
	s7 =	sand.u32 @!p1 $0x7, s7;
	s8 =	sadd.s32 @!p1 s1, s8  }
0x103: {  	[hbm4b:s8+s7] =	stream.linear.scatter @!p1 [tilespmem:s4], [sflag:$0x5], $0x1, $0x38;
	[tilespmem:$0x1B0] =	vst v63  }
.LBB2_22:
0x104: {  	s1 =	sadd.s32 s3, s6  }
0x105: {  	s3 =	sshrl.u32 s1, $0x2  }
.LBB2_23:
0x106: {  	s1 =	simm.s32 $0x5  }
0x107: {  	_ =	swait.ge [sflag:s1], s3  }
0x108: {  	s2 =	ssub.s32 $0x0, s3;
	[sflag:s1] =	ssyncset.done $0x0  }
0x109: {  	[sflag:s1] =	ssyncadd.s32 s2  }
0x10a: {  	[sflag:s1] =	ssyncpa.u1 $0x1  }
0x10b: {  	s30 =	simm.s32 $0x1;
	_ =	sfence  }
0x10c: {  	s31 =	simm.s32 $0x2;
	[sflag:s30] =	ssyncpa.u1 $0x1  }
0x10d: {  	[sflag:s31] =	ssyncpa.u1 $0x1  }
0x10e: {  	_ =	strace $0x90000047  }
0x10f: {  	s0 =	sadd.s32 $0x100000, s0;
	[bflag:$0x2] =	sbarrier.arrive $0xFFFF  }
0x110: {  	[sflag:s0] =	ssyncadd.tile.s32 $0x1;
	_ =	shalt  }
.Lfunc_end2:
_tile_overlayer_lowered:
.L_overlay_start_2:
0x111: {  	(tag) =	ssettag $0x2  }
0x112: {  	s0 =	rddreg [dreg:$0x0];
	s2 =	stileid.u32  }
0x113: {  	s1 =	rddreg [dreg:$0x1];
	p0 =	sne.s32 s2, $0x0  }
0x114: {  	s3 =	rddreg [dreg:$0x2];
	[bflag:$0x3] =	sbarrier.arrive $0xFFFF;
	s2 =	simm.s32 @!p0 $0x1C01  }
0x115: {  	[timem:s3], [sflag:s2] =	dma.local @!p0 [hbm:s0], s1  }
0x116: {  	s0 =	simm.s32 @!p0 $0x1  }
0x117: {  	_ =	swait.ge @!p0 [sflag:s0], s1  }
0x118: {  	s1 =	ssub.s32 @!p0 $0x0, s1;
	[sflag:s0] =	ssyncset.done @!p0 $0x0  }
0x119: {  	[sflag:s0] =	ssyncadd.s32 @!p0 s1  }
0x11a: {  	[bflag:$0x3] =	sbarrier.arrive $0xFFFF  }
0x11b: {  	_ =	shalt  }

</sc_bundles>
